<compile_context>
chip_gen: v7x
topology: tpu7x:2x2x1
jax: 0.10.2.dev20260603
libtpu: 0.0.44.dev20260713+nightly
codegen_flags: <defaults>
</compile_context>

<pallas_src>
import functools

import jax
import jax.numpy as jnp
from jax import lax
from jax.experimental import pallas as pl
from jax.experimental.pallas import tpu as pltpu
from jax.experimental.pallas import tpu_sc as plsc

B, L, D_MODEL = 8, 576, 768
K, D_CODEX, G = 1024, 256, 4
DG = D_CODEX // G
DI = D_MODEL // G
BETA = 0.25

N = B * L
ROWS = N * G
NC, NS, LANES = 2, 16, 16
NW = NC * NS
RPW = ROWS // NW
CH = 48
NCH = RPW // CH


def _stage1(Z_ref, WpreT_ref, gng_ref, gnb_ref, codexT_ref,
            ze_ref, idx_ref):
    Zb = Z_ref[0]
    for g in range(G):
        Zg = Zb[:, g * DI:(g + 1) * DI]
        ze = jnp.dot(Zg, WpreT_ref[g],
                     preferred_element_type=jnp.float32)
        mean = jnp.mean(ze)
        var = jnp.mean((ze - mean) ** 2)
        ze = (ze - mean) * lax.rsqrt(var + 1e-5)
        ze = ze * gng_ref[g][None, :] + gnb_ref[g][None, :]
        ze_ref[0, :, g * DG:(g + 1) * DG] = ze

        dot = jnp.dot(ze, codexT_ref[g],
                      preferred_element_type=jnp.float32)
        zsq = jnp.sum(ze * ze, axis=1, keepdims=True)
        csq = jnp.sum(codexT_ref[g] ** 2, axis=0, keepdims=True)
        d2 = (zsq + csq) - 2.0 * dot
        idx_ref[0, :, g] = jnp.argmin(d2, axis=1)


def _stage3(ze_ref, idx_ref, codex_ref, lng_ref, lnb_ref, WpostT_ref,
            bpost_ref, Zq_ref, loss_ref):
    b = pl.program_id(0)
    zq_parts = []
    loss_part = jnp.float32(0.0)
    kiota = lax.broadcasted_iota(jnp.int32, (L, K), 1)
    for g in range(G):
        idxg = idx_ref[0, :, g].reshape(L, 1)
        probs = (kiota == idxg).astype(jnp.float32)
        zq = jnp.dot(probs, codex_ref[g],
                     preferred_element_type=jnp.float32)
        ze = ze_ref[0, :, g * DG:(g + 1) * DG]
        diff = ze - zq
        loss_part = loss_part + jnp.sum(diff * diff)
        zq_parts.append(zq)

    @pl.when(b == 0)
    def _():
        loss_ref[...] = jnp.zeros((1, 1), jnp.float32)

    loss_ref[...] += jnp.reshape(loss_part, (1, 1)) * (
        (1.0 + BETA) / (B * L * D_CODEX))

    zq_full = jnp.concatenate(zq_parts, axis=1)
    mu = jnp.mean(zq_full, axis=1, keepdims=True)
    v = jnp.mean((zq_full - mu) ** 2, axis=1, keepdims=True)
    y = (zq_full - mu) * lax.rsqrt(v + 1e-5)
    y = y * lng_ref[0][None, :] + lnb_ref[0][None, :]
    Zq_ref[0] = (jnp.dot(y, WpostT_ref[...],
                         preferred_element_type=jnp.float32)
                 + bpost_ref[0][None, :])


def _sc_probs(idx_hbm, zeros_hbm, out_hbm, idx_v, buf0, buf1, sem0, sem1):
    wid = lax.axis_index("s") * NC + lax.axis_index("c")
    base = wid * RPW
    pltpu.sync_copy(idx_hbm.at[pl.ds(base, RPW)], idx_v)
    pltpu.sync_copy(zeros_hbm, buf0)
    pltpu.sync_copy(zeros_hbm, buf1)

    bufs = (buf0, buf1)
    sems = (sem0, sem1)
    ones = jnp.full((LANES,), 1.0, jnp.float32)
    zvec = jnp.zeros((LANES,), jnp.float32)
    rowoff = lax.iota(jnp.int32, LANES) * K

    def _dst(j):
        return out_hbm.at[pl.ds((base + j * CH) * K, CH * K)]

    for j in range(NCH):
        buf, sem = bufs[j % 2], sems[j % 2]
        if j >= 2:
            jj = j - 2
            pltpu.make_async_copy(buf, _dst(jj), sem).wait()
            for t in range(CH // LANES):
                old = idx_v[pl.ds(jj * CH + t * LANES, LANES)]
                plsc.store_scatter(buf, [rowoff + (t * LANES * K) + old],
                                   zvec)
        for t in range(CH // LANES):
            cols = idx_v[pl.ds(j * CH + t * LANES, LANES)]
            plsc.store_scatter(buf, [rowoff + (t * LANES * K) + cols],
                               ones)
        pltpu.async_copy(buf, _dst(j), sem)

    for j in (NCH - 2, NCH - 1):
        pltpu.make_async_copy(bufs[j % 2], _dst(j), sems[j % 2]).wait()


def kernel(Z, W_pre, gn_gamma, gn_beta, codex, ln_gamma, ln_beta,
           W_post, b_post):
    WpreT = W_pre.transpose(0, 2, 1)
    codexT = codex.transpose(0, 2, 1)
    WpostT = W_post.T
    gng = gn_gamma.reshape(G, DG)
    gnb = gn_beta.reshape(G, DG)
    lng = ln_gamma.reshape(1, D_CODEX)
    lnb = ln_beta.reshape(1, D_CODEX)
    bp = b_post.reshape(1, D_MODEL)

    full = lambda shape: pl.BlockSpec(shape, lambda b: (0,) * len(shape))

    ze, idx = pl.pallas_call(
        _stage1,
        grid=(B,),
        in_specs=[
            pl.BlockSpec((1, L, D_MODEL), lambda b: (b, 0, 0)),
            full((G, DI, DG)),
            full((G, DG)),
            full((G, DG)),
            full((G, DG, K)),
        ],
        out_specs=[
            pl.BlockSpec((1, L, D_CODEX), lambda b: (b, 0, 0)),
            pl.BlockSpec((1, L, G), lambda b: (b, 0, 0)),
        ],
        out_shape=[
            jax.ShapeDtypeStruct((B, L, D_CODEX), jnp.float32),
            jax.ShapeDtypeStruct((B, L, G), jnp.int32),
        ],
    )(Z, WpreT, gng, gnb, codexT)

    sc_kernel = functools.partial(
        pl.kernel,
        out_type=jax.ShapeDtypeStruct((ROWS * K,), jnp.float32),
        mesh=plsc.VectorSubcoreMesh(core_axis_name="c", subcore_axis_name="s"),
        compiler_params=pltpu.CompilerParams(needs_layout_passes=False),
        scratch_types=[
            pltpu.VMEM((RPW,), jnp.int32),
            pltpu.VMEM((CH * K,), jnp.float32),
            pltpu.VMEM((CH * K,), jnp.float32),
            pltpu.SemaphoreType.DMA,
            pltpu.SemaphoreType.DMA,
        ],
    )(_sc_probs)
    probs = sc_kernel(idx.reshape(ROWS), jnp.zeros((CH * K,), jnp.float32))

    zq_out, loss_out = pl.pallas_call(
        _stage3,
        grid=(B,),
        in_specs=[
            pl.BlockSpec((1, L, D_CODEX), lambda b: (b, 0, 0)),
            pl.BlockSpec((1, L, G), lambda b: (b, 0, 0)),
            full((G, K, DG)),
            full((1, D_CODEX)),
            full((1, D_CODEX)),
            full((D_CODEX, D_MODEL)),
            full((1, D_MODEL)),
        ],
        out_specs=[
            pl.BlockSpec((1, L, D_MODEL), lambda b: (b, 0, 0)),
            pl.BlockSpec((1, 1), lambda b: (0, 0)),
        ],
        out_shape=[
            jax.ShapeDtypeStruct((B, L, D_MODEL), jnp.float32),
            jax.ShapeDtypeStruct((1, 1), jnp.float32),
        ],
    )(ze, idx, codex, lng, lnb, WpostT, bp)

    return (zq_out, loss_out[0, 0], probs.reshape(B, L, G, K))

# --- scband reference (transcript-rebuilt; emitter-appended) ---
"""Pipeline reference for scband-kmeans-vector-quantizer-28887950033231 (READ-ONLY COPY).

The authoritative reference and input builder live on the scoring server;
editing this copy changes nothing except your own understanding.
"""

import jax, jax.numpy as jnp
import numpy as np

B, L, D_MODEL = 8, 576, 768
K, D_CODEX, G = 1024, 256, 4
DG = D_CODEX // G
BETA = 0.25

def setup_inputs(seed: int = 0):
    key = jax.random.key(seed)
    ks = jax.random.split(key, 5)
    Z = jax.random.normal(ks[0], (B, L, D_MODEL), dtype=jnp.float32)
    # grouped 1x1 conv weight: per group maps d_model/G -> d_codex/G
    W_pre = jax.random.normal(ks[1], (G, DG, D_MODEL // G), dtype=jnp.float32) * 0.02
    gn_gamma = jnp.ones((D_CODEX,), jnp.float32)
    gn_beta = jnp.zeros((D_CODEX,), jnp.float32)
    codex = jax.random.normal(ks[2], (G, K, DG), dtype=jnp.float32)
    ln_gamma = jnp.ones((D_CODEX,), jnp.float32)
    ln_beta = jnp.zeros((D_CODEX,), jnp.float32)
    W_post = jax.random.normal(ks[3], (D_MODEL, D_CODEX), dtype=jnp.float32) * 0.02
    b_post = jnp.zeros((D_MODEL,), jnp.float32)
    return {"Z": Z, "W_pre": W_pre, "gn_gamma": gn_gamma, "gn_beta": gn_beta,
            "codex": codex, "ln_gamma": ln_gamma, "ln_beta": ln_beta,
            "W_post": W_post, "b_post": b_post}

def reference(Z, W_pre, gn_gamma, gn_beta, codex, ln_gamma, ln_beta, W_post, b_post):
    b, l, d_model = Z.shape
    g, k, dg = codex.shape
    d_codex = g * dg
    # pre_proj: grouped 1x1 conv (no bias)
    Zg = Z.reshape(b, l, g, d_model // g)
    Ze = jnp.einsum('blgi,goi->blgo', Zg, W_pre)  # (B, L, g, dg)
    # GroupNorm over (channels-in-group, spatial) per sample per group
    mean = jnp.mean(Ze, axis=(1, 3), keepdims=True)
    var = jnp.var(Ze, axis=(1, 3), keepdims=True)
    Ze = (Ze - mean) / jnp.sqrt(var + 1e-5)
    Ze = Ze * gn_gamma.reshape(1, 1, g, dg) + gn_beta.reshape(1, 1, g, dg)
    # distances to codebook per group
    Zf = Ze.reshape(-1, g, dg)  # (N, g, dg)
    d2 = (jnp.sum(Zf ** 2, axis=-1, keepdims=True)
          + jnp.sum(codex ** 2, axis=-1)[None, :, :]
          - 2.0 * jnp.einsum('ngd,gkd->ngk', Zf, codex))  # (N, g, K)
    idx = jnp.argmin(d2, axis=-1)  # (N, g)
    probs = jax.nn.one_hot(idx, k, dtype=jnp.float32)  # (N, g, K)
    Zq = jnp.einsum('ngk,gkd->ngd', probs, codex).reshape(Ze.shape)
    # VQ loss: codebook + beta * commitment
    loss = (jnp.mean((jax.lax.stop_gradient(Ze) - Zq) ** 2)
            + BETA * jnp.mean((Ze - jax.lax.stop_gradient(Zq)) ** 2))
    # straight-through estimator
    Zq = jax.lax.stop_gradient(Zq) + (Ze - jax.lax.stop_gradient(Ze))
    Zq = Zq.reshape(b, l, d_codex)
    # LayerNorm
    mu = jnp.mean(Zq, axis=-1, keepdims=True)
    v = jnp.var(Zq, axis=-1, keepdims=True)
    Zq = (Zq - mu) / jnp.sqrt(v + 1e-5) * ln_gamma + ln_beta
    # post_proj
    Zq = Zq @ W_post.T + b_post
    codex_probs = probs.reshape(b, l, g, k)
    return Zq, loss, codex_probs

if __name__ == "__main__":
    import jax
    _d = setup_inputs()
    print(jax.jit(kernel)(*tuple(_d.values())))

</pallas_src>

<mosaic_0001>
#map = affine_map<(d0, d1) -> (0)>
module attributes {stable_mosaic.version = 14 : i64} {
  func.func @_sc_probs(%arg0: i32, %arg1: i32, %arg2: memref<18432xi32, #tpu.memory_space<hbm>>, %arg3: memref<49152xf32, #tpu.memory_space<hbm>>, %arg4: memref<18874368xf32, #tpu.memory_space<hbm>>, %arg5: memref<576xi32, #tpu.memory_space<vmem>>, %arg6: memref<49152xf32, #tpu.memory_space<vmem>>, %arg7: memref<49152xf32, #tpu.memory_space<vmem>>, %arg8: memref<!tpu.dma_semaphore, #tpu.memory_space<semaphore_mem>>, %arg9: memref<!tpu.dma_semaphore, #tpu.memory_space<semaphore_mem>>) attributes {dimension_semantics = [#tpu.dimension_semantics<core_parallel>, #tpu.dimension_semantics<subcore_parallel>], iteration_bounds = array<i64: 2, 16>, scalar_prefetch = 0 : i64, scratch_operands = 5 : i64, tpu.core_type = #tpu.core_type<sc_vector_subcore>, window_params = [{transform_indices = #map}, {transform_indices = #map}, {transform_indices = #map}]} {
    %mul3A = arith.constant 2 : i32
    %mul3A_0 = arith.muli %arg1, %mul3A : i32
    %add3A = arith.addi %mul3A_0, %arg0 : i32
    %mul3A_1 = arith.constant 576 : i32
    %mul3A_2 = arith.muli %add3A, %mul3A_1 : i32
    "tpu.region"() ({
      %run_scoped3A = tpu.sem_alloc : memref<!tpu.dma_semaphore, #tpu.memory_space<semaphore_mem>>
      %dma_start3A_546 = tpu.memref_slice %arg2[%mul3A_2] : memref<18432xi32, #tpu.memory_space<hbm>> -> memref<576xi32, #tpu.memory_space<hbm>>
      %dma_start3A_547 = tpu.memref_slice %arg2[%mul3A_2] : memref<18432xi32, #tpu.memory_space<hbm>> -> memref<576xi32, #tpu.memory_space<hbm>>
      tpu.enqueue_dma source(%dma_start3A_547 : memref<576xi32, #tpu.memory_space<hbm>>) target(%arg5 : memref<576xi32, #tpu.memory_space<vmem>>) target_semaphore(%run_scoped3A : memref<!tpu.dma_semaphore, #tpu.memory_space<semaphore_mem>>)
      %dma_wait3A_548 = tpu.memref_slice %arg2[%mul3A_2] : memref<18432xi32, #tpu.memory_space<hbm>> -> memref<576xi32, #tpu.memory_space<hbm>>
      %dma_wait3A_549 = tpu.memref_slice %arg2[%mul3A_2] : memref<18432xi32, #tpu.memory_space<hbm>> -> memref<576xi32, #tpu.memory_space<hbm>>
      tpu.wait_dma2 semaphore(%run_scoped3A : memref<!tpu.dma_semaphore, #tpu.memory_space<semaphore_mem>>) src(%dma_wait3A_549 : memref<576xi32, #tpu.memory_space<hbm>>) dst(%arg5 : memref<576xi32, #tpu.memory_space<vmem>>)
      tpu.yield
    }) : () -> ()
    "tpu.region"() ({
      %run_scoped3A = tpu.sem_alloc : memref<!tpu.dma_semaphore, #tpu.memory_space<semaphore_mem>>
      tpu.enqueue_dma source(%arg3 : memref<49152xf32, #tpu.memory_space<hbm>>) target(%arg6 : memref<49152xf32, #tpu.memory_space<vmem>>) target_semaphore(%run_scoped3A : memref<!tpu.dma_semaphore, #tpu.memory_space<semaphore_mem>>)
      tpu.wait_dma2 semaphore(%run_scoped3A : memref<!tpu.dma_semaphore, #tpu.memory_space<semaphore_mem>>) src(%arg3 : memref<49152xf32, #tpu.memory_space<hbm>>) dst(%arg6 : memref<49152xf32, #tpu.memory_space<vmem>>)
      tpu.yield
    }) : () -> ()
    "tpu.region"() ({
      %run_scoped3A = tpu.sem_alloc : memref<!tpu.dma_semaphore, #tpu.memory_space<semaphore_mem>>
      tpu.enqueue_dma source(%arg3 : memref<49152xf32, #tpu.memory_space<hbm>>) target(%arg7 : memref<49152xf32, #tpu.memory_space<vmem>>) target_semaphore(%run_scoped3A : memref<!tpu.dma_semaphore, #tpu.memory_space<semaphore_mem>>)
      tpu.wait_dma2 semaphore(%run_scoped3A : memref<!tpu.dma_semaphore, #tpu.memory_space<semaphore_mem>>) src(%arg3 : memref<49152xf32, #tpu.memory_space<hbm>>) dst(%arg7 : memref<49152xf32, #tpu.memory_space<vmem>>)
      tpu.yield
    }) : () -> ()
    %broadcast_in_dim3A = arith.constant 1.000000e+00 : f32
    %broadcast_in_dim3A_3 = vector.broadcast %broadcast_in_dim3A : f32 to vector<16xf32>
    %broadcast_in_dim3A_4 = arith.constant 0.000000e+00 : f32
    %broadcast_in_dim3A_5 = vector.broadcast %broadcast_in_dim3A_4 : f32 to vector<16xf32>
    %iota3A = tpu.iota {dimensions = array<i32: 0>} : vector<16xi32>
    %mul3A_6 = arith.constant 1024 : i32
    %mul3A_7 = vector.broadcast %mul3A_6 : i32 to vector<16xi32>
    %mul3A_8 = arith.muli %iota3A, %mul3A_7 : vector<16xi32>
    %get3A = arith.constant 0 : index
    %get3A_9 = tpu.vector_load %arg5[%get3A] {strides = array<i32>} : memref<576xi32, #tpu.memory_space<vmem>>, vector<16xi32>,
    %add3A_10 = arith.constant 0 : i32
    %add3A_11 = vector.broadcast %add3A_10 : i32 to vector<16xi32>
    %add3A_12 = arith.addi %mul3A_8, %add3A_11 : vector<16xi32>
    %add3A_13 = arith.addi %add3A_12, %get3A_9 : vector<16xi32>
    tpu.vector_store_idx %arg6[%add3A_13], %broadcast_in_dim3A_3 : memref<49152xf32, #tpu.memory_space<vmem>>[vector<16xi32>], vector<16xf32>,
    %get3A_14 = arith.constant 16 : index
    %get3A_15 = tpu.vector_load %arg5[%get3A_14] {strides = array<i32>} : memref<576xi32, #tpu.memory_space<vmem>>, vector<16xi32>,
    %add3A_16 = arith.constant 16384 : i32
    %add3A_17 = vector.broadcast %add3A_16 : i32 to vector<16xi32>
    %add3A_18 = arith.addi %mul3A_8, %add3A_17 : vector<16xi32>
    %add3A_19 = arith.addi %add3A_18, %get3A_15 : vector<16xi32>
    tpu.vector_store_idx %arg6[%add3A_19], %broadcast_in_dim3A_3 : memref<49152xf32, #tpu.memory_space<vmem>>[vector<16xi32>], vector<16xf32>,
    %get3A_20 = arith.constant 32 : index
    %get3A_21 = tpu.vector_load %arg5[%get3A_20] {strides = array<i32>} : memref<576xi32, #tpu.memory_space<vmem>>, vector<16xi32>,
    %add3A_22 = arith.constant 32768 : i32
    %add3A_23 = vector.broadcast %add3A_22 : i32 to vector<16xi32>
    %add3A_24 = arith.addi %mul3A_8, %add3A_23 : vector<16xi32>
    %add3A_25 = arith.addi %add3A_24, %get3A_21 : vector<16xi32>
    tpu.vector_store_idx %arg6[%add3A_25], %broadcast_in_dim3A_3 : memref<49152xf32, #tpu.memory_space<vmem>>[vector<16xi32>], vector<16xf32>,
    %add3A_26 = arith.constant 0 : i32
    %add3A_27 = arith.addi %mul3A_2, %add3A_26 : i32
    %mul3A_28 = arith.constant 1024 : i32
    %mul3A_29 = arith.muli %add3A_27, %mul3A_28 : i32
    %dma_start3A = tpu.memref_slice %arg4[%mul3A_29] : memref<18874368xf32, #tpu.memory_space<hbm>> -> memref<49152xf32, #tpu.memory_space<hbm>>
    %dma_start3A_30 = tpu.memref_slice %arg4[%mul3A_29] : memref<18874368xf32, #tpu.memory_space<hbm>> -> memref<49152xf32, #tpu.memory_space<hbm>>
    tpu.enqueue_dma source(%arg6 : memref<49152xf32, #tpu.memory_space<vmem>>) target(%dma_start3A_30 : memref<49152xf32, #tpu.memory_space<hbm>>) target_semaphore(%arg8 : memref<!tpu.dma_semaphore, #tpu.memory_space<semaphore_mem>>)
    %get3A_31 = arith.constant 48 : index
    %get3A_32 = tpu.vector_load %arg5[%get3A_31] {strides = array<i32>} : memref<576xi32, #tpu.memory_space<vmem>>, vector<16xi32>,
    %add3A_33 = arith.constant 0 : i32
    %add3A_34 = vector.broadcast %add3A_33 : i32 to vector<16xi32>
    %add3A_35 = arith.addi %mul3A_8, %add3A_34 : vector<16xi32>
    %add3A_36 = arith.addi %add3A_35, %get3A_32 : vector<16xi32>
    tpu.vector_store_idx %arg7[%add3A_36], %broadcast_in_dim3A_3 : memref<49152xf32, #tpu.memory_space<vmem>>[vector<16xi32>], vector<16xf32>,
    %get3A_37 = arith.constant 64 : index
    %get3A_38 = tpu.vector_load %arg5[%get3A_37] {strides = array<i32>} : memref<576xi32, #tpu.memory_space<vmem>>, vector<16xi32>,
    %add3A_39 = arith.constant 16384 : i32
    %add3A_40 = vector.broadcast %add3A_39 : i32 to vector<16xi32>
    %add3A_41 = arith.addi %mul3A_8, %add3A_40 : vector<16xi32>
    %add3A_42 = arith.addi %add3A_41, %get3A_38 : vector<16xi32>
    tpu.vector_store_idx %arg7[%add3A_42], %broadcast_in_dim3A_3 : memref<49152xf32, #tpu.memory_space<vmem>>[vector<16xi32>], vector<16xf32>,
    %get3A_43 = arith.constant 80 : index
    %get3A_44 = tpu.vector_load %arg5[%get3A_43] {strides = array<i32>} : memref<576xi32, #tpu.memory_space<vmem>>, vector<16xi32>,
    %add3A_45 = arith.constant 32768 : i32
    %add3A_46 = vector.broadcast %add3A_45 : i32 to vector<16xi32>
    %add3A_47 = arith.addi %mul3A_8, %add3A_46 : vector<16xi32>
    %add3A_48 = arith.addi %add3A_47, %get3A_44 : vector<16xi32>
    tpu.vector_store_idx %arg7[%add3A_48], %broadcast_in_dim3A_3 : memref<49152xf32, #tpu.memory_space<vmem>>[vector<16xi32>], vector<16xf32>,
    %add3A_49 = arith.constant 48 : i32
    %add3A_50 = arith.addi %mul3A_2, %add3A_49 : i32
    %mul3A_51 = arith.constant 1024 : i32
    %mul3A_52 = arith.muli %add3A_50, %mul3A_51 : i32
    %dma_start3A_53 = tpu.memref_slice %arg4[%mul3A_52] : memref<18874368xf32, #tpu.memory_space<hbm>> -> memref<49152xf32, #tpu.memory_space<hbm>>
    %dma_start3A_54 = tpu.memref_slice %arg4[%mul3A_52] : memref<18874368xf32, #tpu.memory_space<hbm>> -> memref<49152xf32, #tpu.memory_space<hbm>>
    tpu.enqueue_dma source(%arg7 : memref<49152xf32, #tpu.memory_space<vmem>>) target(%dma_start3A_54 : memref<49152xf32, #tpu.memory_space<hbm>>) target_semaphore(%arg9 : memref<!tpu.dma_semaphore, #tpu.memory_space<semaphore_mem>>)
    %add3A_55 = arith.constant 0 : i32
    %add3A_56 = arith.addi %mul3A_2, %add3A_55 : i32
    %mul3A_57 = arith.constant 1024 : i32
    %mul3A_58 = arith.muli %add3A_56, %mul3A_57 : i32
    %dma_wait3A = tpu.memref_slice %arg4[%mul3A_58] : memref<18874368xf32, #tpu.memory_space<hbm>> -> memref<49152xf32, #tpu.memory_space<hbm>>
    %dma_wait3A_59 = tpu.memref_slice %arg4[%mul3A_58] : memref<18874368xf32, #tpu.memory_space<hbm>> -> memref<49152xf32, #tpu.memory_space<hbm>>
    tpu.wait_dma2 semaphore(%arg8 : memref<!tpu.dma_semaphore, #tpu.memory_space<semaphore_mem>>) src(%arg6 : memref<49152xf32, #tpu.memory_space<vmem>>) dst(%dma_wait3A_59 : memref<49152xf32, #tpu.memory_space<hbm>>)
    %get3A_60 = arith.constant 0 : index
    %get3A_61 = tpu.vector_load %arg5[%get3A_60] {strides = array<i32>} : memref<576xi32, #tpu.memory_space<vmem>>, vector<16xi32>,
    %add3A_62 = arith.constant 0 : i32
    %add3A_63 = vector.broadcast %add3A_62 : i32 to vector<16xi32>
    %add3A_64 = arith.addi %mul3A_8, %add3A_63 : vector<16xi32>
    %add3A_65 = arith.addi %add3A_64, %get3A_61 : vector<16xi32>
    tpu.vector_store_idx %arg6[%add3A_65], %broadcast_in_dim3A_5 : memref<49152xf32, #tpu.memory_space<vmem>>[vector<16xi32>], vector<16xf32>,
    %get3A_66 = arith.constant 16 : index
    %get3A_67 = tpu.vector_load %arg5[%get3A_66] {strides = array<i32>} : memref<576xi32, #tpu.memory_space<vmem>>, vector<16xi32>,
    %add3A_68 = arith.constant 16384 : i32
    %add3A_69 = vector.broadcast %add3A_68 : i32 to vector<16xi32>
    %add3A_70 = arith.addi %mul3A_8, %add3A_69 : vector<16xi32>
    %add3A_71 = arith.addi %add3A_70, %get3A_67 : vector<16xi32>
    tpu.vector_store_idx %arg6[%add3A_71], %broadcast_in_dim3A_5 : memref<49152xf32, #tpu.memory_space<vmem>>[vector<16xi32>], vector<16xf32>,
    %get3A_72 = arith.constant 32 : index
    %get3A_73 = tpu.vector_load %arg5[%get3A_72] {strides = array<i32>} : memref<576xi32, #tpu.memory_space<vmem>>, vector<16xi32>,
    %add3A_74 = arith.constant 32768 : i32
    %add3A_75 = vector.broadcast %add3A_74 : i32 to vector<16xi32>
    %add3A_76 = arith.addi %mul3A_8, %add3A_75 : vector<16xi32>
    %add3A_77 = arith.addi %add3A_76, %get3A_73 : vector<16xi32>
    tpu.vector_store_idx %arg6[%add3A_77], %broadcast_in_dim3A_5 : memref<49152xf32, #tpu.memory_space<vmem>>[vector<16xi32>], vector<16xf32>,
    %get3A_78 = arith.constant 96 : index
    %get3A_79 = tpu.vector_load %arg5[%get3A_78] {strides = array<i32>} : memref<576xi32, #tpu.memory_space<vmem>>, vector<16xi32>,
    %add3A_80 = arith.constant 0 : i32
    %add3A_81 = vector.broadcast %add3A_80 : i32 to vector<16xi32>
    %add3A_82 = arith.addi %mul3A_8, %add3A_81 : vector<16xi32>
    %add3A_83 = arith.addi %add3A_82, %get3A_79 : vector<16xi32>
    tpu.vector_store_idx %arg6[%add3A_83], %broadcast_in_dim3A_3 : memref<49152xf32, #tpu.memory_space<vmem>>[vector<16xi32>], vector<16xf32>,
    %get3A_84 = arith.constant 112 : index
    %get3A_85 = tpu.vector_load %arg5[%get3A_84] {strides = array<i32>} : memref<576xi32, #tpu.memory_space<vmem>>, vector<16xi32>,
    %add3A_86 = arith.constant 16384 : i32
    %add3A_87 = vector.broadcast %add3A_86 : i32 to vector<16xi32>
    %add3A_88 = arith.addi %mul3A_8, %add3A_87 : vector<16xi32>
    %add3A_89 = arith.addi %add3A_88, %get3A_85 : vector<16xi32>
    tpu.vector_store_idx %arg6[%add3A_89], %broadcast_in_dim3A_3 : memref<49152xf32, #tpu.memory_space<vmem>>[vector<16xi32>], vector<16xf32>,
    %get3A_90 = arith.constant 128 : index
    %get3A_91 = tpu.vector_load %arg5[%get3A_90] {strides = array<i32>} : memref<576xi32, #tpu.memory_space<vmem>>, vector<16xi32>,
    %add3A_92 = arith.constant 32768 : i32
    %add3A_93 = vector.broadcast %add3A_92 : i32 to vector<16xi32>
    %add3A_94 = arith.addi %mul3A_8, %add3A_93 : vector<16xi32>
    %add3A_95 = arith.addi %add3A_94, %get3A_91 : vector<16xi32>
    tpu.vector_store_idx %arg6[%add3A_95], %broadcast_in_dim3A_3 : memref<49152xf32, #tpu.memory_space<vmem>>[vector<16xi32>], vector<16xf32>,
    %add3A_96 = arith.constant 96 : i32
    %add3A_97 = arith.addi %mul3A_2, %add3A_96 : i32
    %mul3A_98 = arith.constant 1024 : i32
    %mul3A_99 = arith.muli %add3A_97, %mul3A_98 : i32
    %dma_start3A_100 = tpu.memref_slice %arg4[%mul3A_99] : memref<18874368xf32, #tpu.memory_space<hbm>> -> memref<49152xf32, #tpu.memory_space<hbm>>
    %dma_start3A_101 = tpu.memref_slice %arg4[%mul3A_99] : memref<18874368xf32, #tpu.memory_space<hbm>> -> memref<49152xf32, #tpu.memory_space<hbm>>
    tpu.enqueue_dma source(%arg6 : memref<49152xf32, #tpu.memory_space<vmem>>) target(%dma_start3A_101 : memref<49152xf32, #tpu.memory_space<hbm>>) target_semaphore(%arg8 : memref<!tpu.dma_semaphore, #tpu.memory_space<semaphore_mem>>)
    %add3A_102 = arith.constant 48 : i32
    %add3A_103 = arith.addi %mul3A_2, %add3A_102 : i32
    %mul3A_104 = arith.constant 1024 : i32
    %mul3A_105 = arith.muli %add3A_103, %mul3A_104 : i32
    %dma_wait3A_106 = tpu.memref_slice %arg4[%mul3A_105] : memref<18874368xf32, #tpu.memory_space<hbm>> -> memref<49152xf32, #tpu.memory_space<hbm>>
    %dma_wait3A_107 = tpu.memref_slice %arg4[%mul3A_105] : memref<18874368xf32, #tpu.memory_space<hbm>> -> memref<49152xf32, #tpu.memory_space<hbm>>
    tpu.wait_dma2 semaphore(%arg9 : memref<!tpu.dma_semaphore, #tpu.memory_space<semaphore_mem>>) src(%arg7 : memref<49152xf32, #tpu.memory_space<vmem>>) dst(%dma_wait3A_107 : memref<49152xf32, #tpu.memory_space<hbm>>)
    %get3A_108 = arith.constant 48 : index
    %get3A_109 = tpu.vector_load %arg5[%get3A_108] {strides = array<i32>} : memref<576xi32, #tpu.memory_space<vmem>>, vector<16xi32>,
    %add3A_110 = arith.constant 0 : i32
    %add3A_111 = vector.broadcast %add3A_110 : i32 to vector<16xi32>
    %add3A_112 = arith.addi %mul3A_8, %add3A_111 : vector<16xi32>
    %add3A_113 = arith.addi %add3A_112, %get3A_109 : vector<16xi32>
    tpu.vector_store_idx %arg7[%add3A_113], %broadcast_in_dim3A_5 : memref<49152xf32, #tpu.memory_space<vmem>>[vector<16xi32>], vector<16xf32>,
    %get3A_114 = arith.constant 64 : index
    %get3A_115 = tpu.vector_load %arg5[%get3A_114] {strides = array<i32>} : memref<576xi32, #tpu.memory_space<vmem>>, vector<16xi32>,
    %add3A_116 = arith.constant 16384 : i32
    %add3A_117 = vector.broadcast %add3A_116 : i32 to vector<16xi32>
    %add3A_118 = arith.addi %mul3A_8, %add3A_117 : vector<16xi32>
    %add3A_119 = arith.addi %add3A_118, %get3A_115 : vector<16xi32>
    tpu.vector_store_idx %arg7[%add3A_119], %broadcast_in_dim3A_5 : memref<49152xf32, #tpu.memory_space<vmem>>[vector<16xi32>], vector<16xf32>,
    %get3A_120 = arith.constant 80 : index
    %get3A_121 = tpu.vector_load %arg5[%get3A_120] {strides = array<i32>} : memref<576xi32, #tpu.memory_space<vmem>>, vector<16xi32>,
    %add3A_122 = arith.constant 32768 : i32
    %add3A_123 = vector.broadcast %add3A_122 : i32 to vector<16xi32>
    %add3A_124 = arith.addi %mul3A_8, %add3A_123 : vector<16xi32>
    %add3A_125 = arith.addi %add3A_124, %get3A_121 : vector<16xi32>
    tpu.vector_store_idx %arg7[%add3A_125], %broadcast_in_dim3A_5 : memref<49152xf32, #tpu.memory_space<vmem>>[vector<16xi32>], vector<16xf32>,
    %get3A_126 = arith.constant 144 : index
    %get3A_127 = tpu.vector_load %arg5[%get3A_126] {strides = array<i32>} : memref<576xi32, #tpu.memory_space<vmem>>, vector<16xi32>,
    %add3A_128 = arith.constant 0 : i32
    %add3A_129 = vector.broadcast %add3A_128 : i32 to vector<16xi32>
    %add3A_130 = arith.addi %mul3A_8, %add3A_129 : vector<16xi32>
    %add3A_131 = arith.addi %add3A_130, %get3A_127 : vector<16xi32>
    tpu.vector_store_idx %arg7[%add3A_131], %broadcast_in_dim3A_3 : memref<49152xf32, #tpu.memory_space<vmem>>[vector<16xi32>], vector<16xf32>,
    %get3A_132 = arith.constant 160 : index
    %get3A_133 = tpu.vector_load %arg5[%get3A_132] {strides = array<i32>} : memref<576xi32, #tpu.memory_space<vmem>>, vector<16xi32>,
    %add3A_134 = arith.constant 16384 : i32
    %add3A_135 = vector.broadcast %add3A_134 : i32 to vector<16xi32>
    %add3A_136 = arith.addi %mul3A_8, %add3A_135 : vector<16xi32>
    %add3A_137 = arith.addi %add3A_136, %get3A_133 : vector<16xi32>
    tpu.vector_store_idx %arg7[%add3A_137], %broadcast_in_dim3A_3 : memref<49152xf32, #tpu.memory_space<vmem>>[vector<16xi32>], vector<16xf32>,
    %get3A_138 = arith.constant 176 : index
    %get3A_139 = tpu.vector_load %arg5[%get3A_138] {strides = array<i32>} : memref<576xi32, #tpu.memory_space<vmem>>, vector<16xi32>,
    %add3A_140 = arith.constant 32768 : i32
    %add3A_141 = vector.broadcast %add3A_140 : i32 to vector<16xi32>
    %add3A_142 = arith.addi %mul3A_8, %add3A_141 : vector<16xi32>
    %add3A_143 = arith.addi %add3A_142, %get3A_139 : vector<16xi32>
    tpu.vector_store_idx %arg7[%add3A_143], %broadcast_in_dim3A_3 : memref<49152xf32, #tpu.memory_space<vmem>>[vector<16xi32>], vector<16xf32>,
    %add3A_144 = arith.constant 144 : i32
    %add3A_145 = arith.addi %mul3A_2, %add3A_144 : i32
    %mul3A_146 = arith.constant 1024 : i32
    %mul3A_147 = arith.muli %add3A_145, %mul3A_146 : i32
    %dma_start3A_148 = tpu.memref_slice %arg4[%mul3A_147] : memref<18874368xf32, #tpu.memory_space<hbm>> -> memref<49152xf32, #tpu.memory_space<hbm>>
    %dma_start3A_149 = tpu.memref_slice %arg4[%mul3A_147] : memref<18874368xf32, #tpu.memory_space<hbm>> -> memref<49152xf32, #tpu.memory_space<hbm>>
    tpu.enqueue_dma source(%arg7 : memref<49152xf32, #tpu.memory_space<vmem>>) target(%dma_start3A_149 : memref<49152xf32, #tpu.memory_space<hbm>>) target_semaphore(%arg9 : memref<!tpu.dma_semaphore, #tpu.memory_space<semaphore_mem>>)
    %add3A_150 = arith.constant 96 : i32
    %add3A_151 = arith.addi %mul3A_2, %add3A_150 : i32
    %mul3A_152 = arith.constant 1024 : i32
    %mul3A_153 = arith.muli %add3A_151, %mul3A_152 : i32
    %dma_wait3A_154 = tpu.memref_slice %arg4[%mul3A_153] : memref<18874368xf32, #tpu.memory_space<hbm>> -> memref<49152xf32, #tpu.memory_space<hbm>>
    %dma_wait3A_155 = tpu.memref_slice %arg4[%mul3A_153] : memref<18874368xf32, #tpu.memory_space<hbm>> -> memref<49152xf32, #tpu.memory_space<hbm>>
    tpu.wait_dma2 semaphore(%arg8 : memref<!tpu.dma_semaphore, #tpu.memory_space<semaphore_mem>>) src(%arg6 : memref<49152xf32, #tpu.memory_space<vmem>>) dst(%dma_wait3A_155 : memref<49152xf32, #tpu.memory_space<hbm>>)
    %get3A_156 = arith.constant 96 : index
    %get3A_157 = tpu.vector_load %arg5[%get3A_156] {strides = array<i32>} : memref<576xi32, #tpu.memory_space<vmem>>, vector<16xi32>,
    %add3A_158 = arith.constant 0 : i32
    %add3A_159 = vector.broadcast %add3A_158 : i32 to vector<16xi32>
    %add3A_160 = arith.addi %mul3A_8, %add3A_159 : vector<16xi32>
    %add3A_161 = arith.addi %add3A_160, %get3A_157 : vector<16xi32>
    tpu.vector_store_idx %arg6[%add3A_161], %broadcast_in_dim3A_5 : memref<49152xf32, #tpu.memory_space<vmem>>[vector<16xi32>], vector<16xf32>,
    %get3A_162 = arith.constant 112 : index
    %get3A_163 = tpu.vector_load %arg5[%get3A_162] {strides = array<i32>} : memref<576xi32, #tpu.memory_space<vmem>>, vector<16xi32>,
    %add3A_164 = arith.constant 16384 : i32
    %add3A_165 = vector.broadcast %add3A_164 : i32 to vector<16xi32>
    %add3A_166 = arith.addi %mul3A_8, %add3A_165 : vector<16xi32>
    %add3A_167 = arith.addi %add3A_166, %get3A_163 : vector<16xi32>
    tpu.vector_store_idx %arg6[%add3A_167], %broadcast_in_dim3A_5 : memref<49152xf32, #tpu.memory_space<vmem>>[vector<16xi32>], vector<16xf32>,
    %get3A_168 = arith.constant 128 : index
    %get3A_169 = tpu.vector_load %arg5[%get3A_168] {strides = array<i32>} : memref<576xi32, #tpu.memory_space<vmem>>, vector<16xi32>,
    %add3A_170 = arith.constant 32768 : i32
    %add3A_171 = vector.broadcast %add3A_170 : i32 to vector<16xi32>
    %add3A_172 = arith.addi %mul3A_8, %add3A_171 : vector<16xi32>
    %add3A_173 = arith.addi %add3A_172, %get3A_169 : vector<16xi32>
    tpu.vector_store_idx %arg6[%add3A_173], %broadcast_in_dim3A_5 : memref<49152xf32, #tpu.memory_space<vmem>>[vector<16xi32>], vector<16xf32>,
    %get3A_174 = arith.constant 192 : index
    %get3A_175 = tpu.vector_load %arg5[%get3A_174] {strides = array<i32>} : memref<576xi32, #tpu.memory_space<vmem>>, vector<16xi32>,
    %add3A_176 = arith.constant 0 : i32
    %add3A_177 = vector.broadcast %add3A_176 : i32 to vector<16xi32>
    %add3A_178 = arith.addi %mul3A_8, %add3A_177 : vector<16xi32>
    %add3A_179 = arith.addi %add3A_178, %get3A_175 : vector<16xi32>
    tpu.vector_store_idx %arg6[%add3A_179], %broadcast_in_dim3A_3 : memref<49152xf32, #tpu.memory_space<vmem>>[vector<16xi32>], vector<16xf32>,
    %get3A_180 = arith.constant 208 : index
    %get3A_181 = tpu.vector_load %arg5[%get3A_180] {strides = array<i32>} : memref<576xi32, #tpu.memory_space<vmem>>, vector<16xi32>,
    %add3A_182 = arith.constant 16384 : i32
    %add3A_183 = vector.broadcast %add3A_182 : i32 to vector<16xi32>
    %add3A_184 = arith.addi %mul3A_8, %add3A_183 : vector<16xi32>
    %add3A_185 = arith.addi %add3A_184, %get3A_181 : vector<16xi32>
    tpu.vector_store_idx %arg6[%add3A_185], %broadcast_in_dim3A_3 : memref<49152xf32, #tpu.memory_space<vmem>>[vector<16xi32>], vector<16xf32>,
    %get3A_186 = arith.constant 224 : index
    %get3A_187 = tpu.vector_load %arg5[%get3A_186] {strides = array<i32>} : memref<576xi32, #tpu.memory_space<vmem>>, vector<16xi32>,
    %add3A_188 = arith.constant 32768 : i32
    %add3A_189 = vector.broadcast %add3A_188 : i32 to vector<16xi32>
    %add3A_190 = arith.addi %mul3A_8, %add3A_189 : vector<16xi32>
    %add3A_191 = arith.addi %add3A_190, %get3A_187 : vector<16xi32>
    tpu.vector_store_idx %arg6[%add3A_191], %broadcast_in_dim3A_3 : memref<49152xf32, #tpu.memory_space<vmem>>[vector<16xi32>], vector<16xf32>,
    %add3A_192 = arith.constant 192 : i32
    %add3A_193 = arith.addi %mul3A_2, %add3A_192 : i32
    %mul3A_194 = arith.constant 1024 : i32
    %mul3A_195 = arith.muli %add3A_193, %mul3A_194 : i32
    %dma_start3A_196 = tpu.memref_slice %arg4[%mul3A_195] : memref<18874368xf32, #tpu.memory_space<hbm>> -> memref<49152xf32, #tpu.memory_space<hbm>>
    %dma_start3A_197 = tpu.memref_slice %arg4[%mul3A_195] : memref<18874368xf32, #tpu.memory_space<hbm>> -> memref<49152xf32, #tpu.memory_space<hbm>>
    tpu.enqueue_dma source(%arg6 : memref<49152xf32, #tpu.memory_space<vmem>>) target(%dma_start3A_197 : memref<49152xf32, #tpu.memory_space<hbm>>) target_semaphore(%arg8 : memref<!tpu.dma_semaphore, #tpu.memory_space<semaphore_mem>>)
    %add3A_198 = arith.constant 144 : i32
    %add3A_199 = arith.addi %mul3A_2, %add3A_198 : i32
    %mul3A_200 = arith.constant 1024 : i32
    %mul3A_201 = arith.muli %add3A_199, %mul3A_200 : i32
    %dma_wait3A_202 = tpu.memref_slice %arg4[%mul3A_201] : memref<18874368xf32, #tpu.memory_space<hbm>> -> memref<49152xf32, #tpu.memory_space<hbm>>
    %dma_wait3A_203 = tpu.memref_slice %arg4[%mul3A_201] : memref<18874368xf32, #tpu.memory_space<hbm>> -> memref<49152xf32, #tpu.memory_space<hbm>>
    tpu.wait_dma2 semaphore(%arg9 : memref<!tpu.dma_semaphore, #tpu.memory_space<semaphore_mem>>) src(%arg7 : memref<49152xf32, #tpu.memory_space<vmem>>) dst(%dma_wait3A_203 : memref<49152xf32, #tpu.memory_space<hbm>>)
    %get3A_204 = arith.constant 144 : index
    %get3A_205 = tpu.vector_load %arg5[%get3A_204] {strides = array<i32>} : memref<576xi32, #tpu.memory_space<vmem>>, vector<16xi32>,
    %add3A_206 = arith.constant 0 : i32
    %add3A_207 = vector.broadcast %add3A_206 : i32 to vector<16xi32>
    %add3A_208 = arith.addi %mul3A_8, %add3A_207 : vector<16xi32>
    %add3A_209 = arith.addi %add3A_208, %get3A_205 : vector<16xi32>
    tpu.vector_store_idx %arg7[%add3A_209], %broadcast_in_dim3A_5 : memref<49152xf32, #tpu.memory_space<vmem>>[vector<16xi32>], vector<16xf32>,
    %get3A_210 = arith.constant 160 : index
    %get3A_211 = tpu.vector_load %arg5[%get3A_210] {strides = array<i32>} : memref<576xi32, #tpu.memory_space<vmem>>, vector<16xi32>,
    %add3A_212 = arith.constant 16384 : i32
    %add3A_213 = vector.broadcast %add3A_212 : i32 to vector<16xi32>
    %add3A_214 = arith.addi %mul3A_8, %add3A_213 : vector<16xi32>
    %add3A_215 = arith.addi %add3A_214, %get3A_211 : vector<16xi32>
    tpu.vector_store_idx %arg7[%add3A_215], %broadcast_in_dim3A_5 : memref<49152xf32, #tpu.memory_space<vmem>>[vector<16xi32>], vector<16xf32>,
    %get3A_216 = arith.constant 176 : index
    %get3A_217 = tpu.vector_load %arg5[%get3A_216] {strides = array<i32>} : memref<576xi32, #tpu.memory_space<vmem>>, vector<16xi32>,
    %add3A_218 = arith.constant 32768 : i32
    %add3A_219 = vector.broadcast %add3A_218 : i32 to vector<16xi32>
    %add3A_220 = arith.addi %mul3A_8, %add3A_219 : vector<16xi32>
    %add3A_221 = arith.addi %add3A_220, %get3A_217 : vector<16xi32>
    tpu.vector_store_idx %arg7[%add3A_221], %broadcast_in_dim3A_5 : memref<49152xf32, #tpu.memory_space<vmem>>[vector<16xi32>], vector<16xf32>,
    %get3A_222 = arith.constant 240 : index
    %get3A_223 = tpu.vector_load %arg5[%get3A_222] {strides = array<i32>} : memref<576xi32, #tpu.memory_space<vmem>>, vector<16xi32>,
    %add3A_224 = arith.constant 0 : i32
    %add3A_225 = vector.broadcast %add3A_224 : i32 to vector<16xi32>
    %add3A_226 = arith.addi %mul3A_8, %add3A_225 : vector<16xi32>
    %add3A_227 = arith.addi %add3A_226, %get3A_223 : vector<16xi32>
    tpu.vector_store_idx %arg7[%add3A_227], %broadcast_in_dim3A_3 : memref<49152xf32, #tpu.memory_space<vmem>>[vector<16xi32>], vector<16xf32>,
    %get3A_228 = arith.constant 256 : index
    %get3A_229 = tpu.vector_load %arg5[%get3A_228] {strides = array<i32>} : memref<576xi32, #tpu.memory_space<vmem>>, vector<16xi32>,
    %add3A_230 = arith.constant 16384 : i32
    %add3A_231 = vector.broadcast %add3A_230 : i32 to vector<16xi32>
    %add3A_232 = arith.addi %mul3A_8, %add3A_231 : vector<16xi32>
    %add3A_233 = arith.addi %add3A_232, %get3A_229 : vector<16xi32>
    tpu.vector_store_idx %arg7[%add3A_233], %broadcast_in_dim3A_3 : memref<49152xf32, #tpu.memory_space<vmem>>[vector<16xi32>], vector<16xf32>,
    %get3A_234 = arith.constant 272 : index
    %get3A_235 = tpu.vector_load %arg5[%get3A_234] {strides = array<i32>} : memref<576xi32, #tpu.memory_space<vmem>>, vector<16xi32>,
    %add3A_236 = arith.constant 32768 : i32
    %add3A_237 = vector.broadcast %add3A_236 : i32 to vector<16xi32>
    %add3A_238 = arith.addi %mul3A_8, %add3A_237 : vector<16xi32>
    %add3A_239 = arith.addi %add3A_238, %get3A_235 : vector<16xi32>
    tpu.vector_store_idx %arg7[%add3A_239], %broadcast_in_dim3A_3 : memref<49152xf32, #tpu.memory_space<vmem>>[vector<16xi32>], vector<16xf32>,
    %add3A_240 = arith.constant 240 : i32
    %add3A_241 = arith.addi %mul3A_2, %add3A_240 : i32
    %mul3A_242 = arith.constant 1024 : i32
    %mul3A_243 = arith.muli %add3A_241, %mul3A_242 : i32
    %dma_start3A_244 = tpu.memref_slice %arg4[%mul3A_243] : memref<18874368xf32, #tpu.memory_space<hbm>> -> memref<49152xf32, #tpu.memory_space<hbm>>
    %dma_start3A_245 = tpu.memref_slice %arg4[%mul3A_243] : memref<18874368xf32, #tpu.memory_space<hbm>> -> memref<49152xf32, #tpu.memory_space<hbm>>
    tpu.enqueue_dma source(%arg7 : memref<49152xf32, #tpu.memory_space<vmem>>) target(%dma_start3A_245 : memref<49152xf32, #tpu.memory_space<hbm>>) target_semaphore(%arg9 : memref<!tpu.dma_semaphore, #tpu.memory_space<semaphore_mem>>)
    %add3A_246 = arith.constant 192 : i32
    %add3A_247 = arith.addi %mul3A_2, %add3A_246 : i32
    %mul3A_248 = arith.constant 1024 : i32
    %mul3A_249 = arith.muli %add3A_247, %mul3A_248 : i32
    %dma_wait3A_250 = tpu.memref_slice %arg4[%mul3A_249] : memref<18874368xf32, #tpu.memory_space<hbm>> -> memref<49152xf32, #tpu.memory_space<hbm>>
    %dma_wait3A_251 = tpu.memref_slice %arg4[%mul3A_249] : memref<18874368xf32, #tpu.memory_space<hbm>> -> memref<49152xf32, #tpu.memory_space<hbm>>
    tpu.wait_dma2 semaphore(%arg8 : memref<!tpu.dma_semaphore, #tpu.memory_space<semaphore_mem>>) src(%arg6 : memref<49152xf32, #tpu.memory_space<vmem>>) dst(%dma_wait3A_251 : memref<49152xf32, #tpu.memory_space<hbm>>)
    %get3A_252 = arith.constant 192 : index
    %get3A_253 = tpu.vector_load %arg5[%get3A_252] {strides = array<i32>} : memref<576xi32, #tpu.memory_space<vmem>>, vector<16xi32>,
    %add3A_254 = arith.constant 0 : i32
    %add3A_255 = vector.broadcast %add3A_254 : i32 to vector<16xi32>
    %add3A_256 = arith.addi %mul3A_8, %add3A_255 : vector<16xi32>
    %add3A_257 = arith.addi %add3A_256, %get3A_253 : vector<16xi32>
    tpu.vector_store_idx %arg6[%add3A_257], %broadcast_in_dim3A_5 : memref<49152xf32, #tpu.memory_space<vmem>>[vector<16xi32>], vector<16xf32>,
    %get3A_258 = arith.constant 208 : index
    %get3A_259 = tpu.vector_load %arg5[%get3A_258] {strides = array<i32>} : memref<576xi32, #tpu.memory_space<vmem>>, vector<16xi32>,
    %add3A_260 = arith.constant 16384 : i32
    %add3A_261 = vector.broadcast %add3A_260 : i32 to vector<16xi32>
    %add3A_262 = arith.addi %mul3A_8, %add3A_261 : vector<16xi32>
    %add3A_263 = arith.addi %add3A_262, %get3A_259 : vector<16xi32>
    tpu.vector_store_idx %arg6[%add3A_263], %broadcast_in_dim3A_5 : memref<49152xf32, #tpu.memory_space<vmem>>[vector<16xi32>], vector<16xf32>,
    %get3A_264 = arith.constant 224 : index
    %get3A_265 = tpu.vector_load %arg5[%get3A_264] {strides = array<i32>} : memref<576xi32, #tpu.memory_space<vmem>>, vector<16xi32>,
    %add3A_266 = arith.constant 32768 : i32
    %add3A_267 = vector.broadcast %add3A_266 : i32 to vector<16xi32>
    %add3A_268 = arith.addi %mul3A_8, %add3A_267 : vector<16xi32>
    %add3A_269 = arith.addi %add3A_268, %get3A_265 : vector<16xi32>
    tpu.vector_store_idx %arg6[%add3A_269], %broadcast_in_dim3A_5 : memref<49152xf32, #tpu.memory_space<vmem>>[vector<16xi32>], vector<16xf32>,
    %get3A_270 = arith.constant 288 : index
    %get3A_271 = tpu.vector_load %arg5[%get3A_270] {strides = array<i32>} : memref<576xi32, #tpu.memory_space<vmem>>, vector<16xi32>,
    %add3A_272 = arith.constant 0 : i32
    %add3A_273 = vector.broadcast %add3A_272 : i32 to vector<16xi32>
    %add3A_274 = arith.addi %mul3A_8, %add3A_273 : vector<16xi32>
    %add3A_275 = arith.addi %add3A_274, %get3A_271 : vector<16xi32>
    tpu.vector_store_idx %arg6[%add3A_275], %broadcast_in_dim3A_3 : memref<49152xf32, #tpu.memory_space<vmem>>[vector<16xi32>], vector<16xf32>,
    %get3A_276 = arith.constant 304 : index
    %get3A_277 = tpu.vector_load %arg5[%get3A_276] {strides = array<i32>} : memref<576xi32, #tpu.memory_space<vmem>>, vector<16xi32>,
    %add3A_278 = arith.constant 16384 : i32
    %add3A_279 = vector.broadcast %add3A_278 : i32 to vector<16xi32>
    %add3A_280 = arith.addi %mul3A_8, %add3A_279 : vector<16xi32>
    %add3A_281 = arith.addi %add3A_280, %get3A_277 : vector<16xi32>
    tpu.vector_store_idx %arg6[%add3A_281], %broadcast_in_dim3A_3 : memref<49152xf32, #tpu.memory_space<vmem>>[vector<16xi32>], vector<16xf32>,
    %get3A_282 = arith.constant 320 : index
    %get3A_283 = tpu.vector_load %arg5[%get3A_282] {strides = array<i32>} : memref<576xi32, #tpu.memory_space<vmem>>, vector<16xi32>,
    %add3A_284 = arith.constant 32768 : i32
    %add3A_285 = vector.broadcast %add3A_284 : i32 to vector<16xi32>
    %add3A_286 = arith.addi %mul3A_8, %add3A_285 : vector<16xi32>
    %add3A_287 = arith.addi %add3A_286, %get3A_283 : vector<16xi32>
    tpu.vector_store_idx %arg6[%add3A_287], %broadcast_in_dim3A_3 : memref<49152xf32, #tpu.memory_space<vmem>>[vector<16xi32>], vector<16xf32>,
    %add3A_288 = arith.constant 288 : i32
    %add3A_289 = arith.addi %mul3A_2, %add3A_288 : i32
    %mul3A_290 = arith.constant 1024 : i32
    %mul3A_291 = arith.muli %add3A_289, %mul3A_290 : i32
    %dma_start3A_292 = tpu.memref_slice %arg4[%mul3A_291] : memref<18874368xf32, #tpu.memory_space<hbm>> -> memref<49152xf32, #tpu.memory_space<hbm>>
    %dma_start3A_293 = tpu.memref_slice %arg4[%mul3A_291] : memref<18874368xf32, #tpu.memory_space<hbm>> -> memref<49152xf32, #tpu.memory_space<hbm>>
    tpu.enqueue_dma source(%arg6 : memref<49152xf32, #tpu.memory_space<vmem>>) target(%dma_start3A_293 : memref<49152xf32, #tpu.memory_space<hbm>>) target_semaphore(%arg8 : memref<!tpu.dma_semaphore, #tpu.memory_space<semaphore_mem>>)
    %add3A_294 = arith.constant 240 : i32
    %add3A_295 = arith.addi %mul3A_2, %add3A_294 : i32
    %mul3A_296 = arith.constant 1024 : i32
    %mul3A_297 = arith.muli %add3A_295, %mul3A_296 : i32
    %dma_wait3A_298 = tpu.memref_slice %arg4[%mul3A_297] : memref<18874368xf32, #tpu.memory_space<hbm>> -> memref<49152xf32, #tpu.memory_space<hbm>>
    %dma_wait3A_299 = tpu.memref_slice %arg4[%mul3A_297] : memref<18874368xf32, #tpu.memory_space<hbm>> -> memref<49152xf32, #tpu.memory_space<hbm>>
    tpu.wait_dma2 semaphore(%arg9 : memref<!tpu.dma_semaphore, #tpu.memory_space<semaphore_mem>>) src(%arg7 : memref<49152xf32, #tpu.memory_space<vmem>>) dst(%dma_wait3A_299 : memref<49152xf32, #tpu.memory_space<hbm>>)
    %get3A_300 = arith.constant 240 : index
    %get3A_301 = tpu.vector_load %arg5[%get3A_300] {strides = array<i32>} : memref<576xi32, #tpu.memory_space<vmem>>, vector<16xi32>,
    %add3A_302 = arith.constant 0 : i32
    %add3A_303 = vector.broadcast %add3A_302 : i32 to vector<16xi32>
    %add3A_304 = arith.addi %mul3A_8, %add3A_303 : vector<16xi32>
    %add3A_305 = arith.addi %add3A_304, %get3A_301 : vector<16xi32>
    tpu.vector_store_idx %arg7[%add3A_305], %broadcast_in_dim3A_5 : memref<49152xf32, #tpu.memory_space<vmem>>[vector<16xi32>], vector<16xf32>,
    %get3A_306 = arith.constant 256 : index
    %get3A_307 = tpu.vector_load %arg5[%get3A_306] {strides = array<i32>} : memref<576xi32, #tpu.memory_space<vmem>>, vector<16xi32>,
    %add3A_308 = arith.constant 16384 : i32
    %add3A_309 = vector.broadcast %add3A_308 : i32 to vector<16xi32>
    %add3A_310 = arith.addi %mul3A_8, %add3A_309 : vector<16xi32>
    %add3A_311 = arith.addi %add3A_310, %get3A_307 : vector<16xi32>
    tpu.vector_store_idx %arg7[%add3A_311], %broadcast_in_dim3A_5 : memref<49152xf32, #tpu.memory_space<vmem>>[vector<16xi32>], vector<16xf32>,
    %get3A_312 = arith.constant 272 : index
    %get3A_313 = tpu.vector_load %arg5[%get3A_312] {strides = array<i32>} : memref<576xi32, #tpu.memory_space<vmem>>, vector<16xi32>,
    %add3A_314 = arith.constant 32768 : i32
    %add3A_315 = vector.broadcast %add3A_314 : i32 to vector<16xi32>
    %add3A_316 = arith.addi %mul3A_8, %add3A_315 : vector<16xi32>
    %add3A_317 = arith.addi %add3A_316, %get3A_313 : vector<16xi32>
    tpu.vector_store_idx %arg7[%add3A_317], %broadcast_in_dim3A_5 : memref<49152xf32, #tpu.memory_space<vmem>>[vector<16xi32>], vector<16xf32>,
    %get3A_318 = arith.constant 336 : index
    %get3A_319 = tpu.vector_load %arg5[%get3A_318] {strides = array<i32>} : memref<576xi32, #tpu.memory_space<vmem>>, vector<16xi32>,
    %add3A_320 = arith.constant 0 : i32
    %add3A_321 = vector.broadcast %add3A_320 : i32 to vector<16xi32>
    %add3A_322 = arith.addi %mul3A_8, %add3A_321 : vector<16xi32>
    %add3A_323 = arith.addi %add3A_322, %get3A_319 : vector<16xi32>
    tpu.vector_store_idx %arg7[%add3A_323], %broadcast_in_dim3A_3 : memref<49152xf32, #tpu.memory_space<vmem>>[vector<16xi32>], vector<16xf32>,
    %get3A_324 = arith.constant 352 : index
    %get3A_325 = tpu.vector_load %arg5[%get3A_324] {strides = array<i32>} : memref<576xi32, #tpu.memory_space<vmem>>, vector<16xi32>,
    %add3A_326 = arith.constant 16384 : i32
    %add3A_327 = vector.broadcast %add3A_326 : i32 to vector<16xi32>
    %add3A_328 = arith.addi %mul3A_8, %add3A_327 : vector<16xi32>
    %add3A_329 = arith.addi %add3A_328, %get3A_325 : vector<16xi32>
    tpu.vector_store_idx %arg7[%add3A_329], %broadcast_in_dim3A_3 : memref<49152xf32, #tpu.memory_space<vmem>>[vector<16xi32>], vector<16xf32>,
    %get3A_330 = arith.constant 368 : index
    %get3A_331 = tpu.vector_load %arg5[%get3A_330] {strides = array<i32>} : memref<576xi32, #tpu.memory_space<vmem>>, vector<16xi32>,
    %add3A_332 = arith.constant 32768 : i32
    %add3A_333 = vector.broadcast %add3A_332 : i32 to vector<16xi32>
    %add3A_334 = arith.addi %mul3A_8, %add3A_333 : vector<16xi32>
    %add3A_335 = arith.addi %add3A_334, %get3A_331 : vector<16xi32>
    tpu.vector_store_idx %arg7[%add3A_335], %broadcast_in_dim3A_3 : memref<49152xf32, #tpu.memory_space<vmem>>[vector<16xi32>], vector<16xf32>,
    %add3A_336 = arith.constant 336 : i32
    %add3A_337 = arith.addi %mul3A_2, %add3A_336 : i32
    %mul3A_338 = arith.constant 1024 : i32
    %mul3A_339 = arith.muli %add3A_337, %mul3A_338 : i32
    %dma_start3A_340 = tpu.memref_slice %arg4[%mul3A_339] : memref<18874368xf32, #tpu.memory_space<hbm>> -> memref<49152xf32, #tpu.memory_space<hbm>>
    %dma_start3A_341 = tpu.memref_slice %arg4[%mul3A_339] : memref<18874368xf32, #tpu.memory_space<hbm>> -> memref<49152xf32, #tpu.memory_space<hbm>>
    tpu.enqueue_dma source(%arg7 : memref<49152xf32, #tpu.memory_space<vmem>>) target(%dma_start3A_341 : memref<49152xf32, #tpu.memory_space<hbm>>) target_semaphore(%arg9 : memref<!tpu.dma_semaphore, #tpu.memory_space<semaphore_mem>>)
    %add3A_342 = arith.constant 288 : i32
    %add3A_343 = arith.addi %mul3A_2, %add3A_342 : i32
    %mul3A_344 = arith.constant 1024 : i32
    %mul3A_345 = arith.muli %add3A_343, %mul3A_344 : i32
    %dma_wait3A_346 = tpu.memref_slice %arg4[%mul3A_345] : memref<18874368xf32, #tpu.memory_space<hbm>> -> memref<49152xf32, #tpu.memory_space<hbm>>
    %dma_wait3A_347 = tpu.memref_slice %arg4[%mul3A_345] : memref<18874368xf32, #tpu.memory_space<hbm>> -> memref<49152xf32, #tpu.memory_space<hbm>>
    tpu.wait_dma2 semaphore(%arg8 : memref<!tpu.dma_semaphore, #tpu.memory_space<semaphore_mem>>) src(%arg6 : memref<49152xf32, #tpu.memory_space<vmem>>) dst(%dma_wait3A_347 : memref<49152xf32, #tpu.memory_space<hbm>>)
    %get3A_348 = arith.constant 288 : index
    %get3A_349 = tpu.vector_load %arg5[%get3A_348] {strides = array<i32>} : memref<576xi32, #tpu.memory_space<vmem>>, vector<16xi32>,
    %add3A_350 = arith.constant 0 : i32
    %add3A_351 = vector.broadcast %add3A_350 : i32 to vector<16xi32>
    %add3A_352 = arith.addi %mul3A_8, %add3A_351 : vector<16xi32>
    %add3A_353 = arith.addi %add3A_352, %get3A_349 : vector<16xi32>
    tpu.vector_store_idx %arg6[%add3A_353], %broadcast_in_dim3A_5 : memref<49152xf32, #tpu.memory_space<vmem>>[vector<16xi32>], vector<16xf32>,
    %get3A_354 = arith.constant 304 : index
    %get3A_355 = tpu.vector_load %arg5[%get3A_354] {strides = array<i32>} : memref<576xi32, #tpu.memory_space<vmem>>, vector<16xi32>,
    %add3A_356 = arith.constant 16384 : i32
    %add3A_357 = vector.broadcast %add3A_356 : i32 to vector<16xi32>
    %add3A_358 = arith.addi %mul3A_8, %add3A_357 : vector<16xi32>
    %add3A_359 = arith.addi %add3A_358, %get3A_355 : vector<16xi32>
    tpu.vector_store_idx %arg6[%add3A_359], %broadcast_in_dim3A_5 : memref<49152xf32, #tpu.memory_space<vmem>>[vector<16xi32>], vector<16xf32>,
    %get3A_360 = arith.constant 320 : index
    %get3A_361 = tpu.vector_load %arg5[%get3A_360] {strides = array<i32>} : memref<576xi32, #tpu.memory_space<vmem>>, vector<16xi32>,
    %add3A_362 = arith.constant 32768 : i32
    %add3A_363 = vector.broadcast %add3A_362 : i32 to vector<16xi32>
    %add3A_364 = arith.addi %mul3A_8, %add3A_363 : vector<16xi32>
    %add3A_365 = arith.addi %add3A_364, %get3A_361 : vector<16xi32>
    tpu.vector_store_idx %arg6[%add3A_365], %broadcast_in_dim3A_5 : memref<49152xf32, #tpu.memory_space<vmem>>[vector<16xi32>], vector<16xf32>,
    %get3A_366 = arith.constant 384 : index
    %get3A_367 = tpu.vector_load %arg5[%get3A_366] {strides = array<i32>} : memref<576xi32, #tpu.memory_space<vmem>>, vector<16xi32>,
    %add3A_368 = arith.constant 0 : i32
    %add3A_369 = vector.broadcast %add3A_368 : i32 to vector<16xi32>
    %add3A_370 = arith.addi %mul3A_8, %add3A_369 : vector<16xi32>
    %add3A_371 = arith.addi %add3A_370, %get3A_367 : vector<16xi32>
    tpu.vector_store_idx %arg6[%add3A_371], %broadcast_in_dim3A_3 : memref<49152xf32, #tpu.memory_space<vmem>>[vector<16xi32>], vector<16xf32>,
    %get3A_372 = arith.constant 400 : index
    %get3A_373 = tpu.vector_load %arg5[%get3A_372] {strides = array<i32>} : memref<576xi32, #tpu.memory_space<vmem>>, vector<16xi32>,
    %add3A_374 = arith.constant 16384 : i32
    %add3A_375 = vector.broadcast %add3A_374 : i32 to vector<16xi32>
    %add3A_376 = arith.addi %mul3A_8, %add3A_375 : vector<16xi32>
    %add3A_377 = arith.addi %add3A_376, %get3A_373 : vector<16xi32>
    tpu.vector_store_idx %arg6[%add3A_377], %broadcast_in_dim3A_3 : memref<49152xf32, #tpu.memory_space<vmem>>[vector<16xi32>], vector<16xf32>,
    %get3A_378 = arith.constant 416 : index
    %get3A_379 = tpu.vector_load %arg5[%get3A_378] {strides = array<i32>} : memref<576xi32, #tpu.memory_space<vmem>>, vector<16xi32>,
    %add3A_380 = arith.constant 32768 : i32
    %add3A_381 = vector.broadcast %add3A_380 : i32 to vector<16xi32>
    %add3A_382 = arith.addi %mul3A_8, %add3A_381 : vector<16xi32>
    %add3A_383 = arith.addi %add3A_382, %get3A_379 : vector<16xi32>
    tpu.vector_store_idx %arg6[%add3A_383], %broadcast_in_dim3A_3 : memref<49152xf32, #tpu.memory_space<vmem>>[vector<16xi32>], vector<16xf32>,
    %add3A_384 = arith.constant 384 : i32
    %add3A_385 = arith.addi %mul3A_2, %add3A_384 : i32
    %mul3A_386 = arith.constant 1024 : i32
    %mul3A_387 = arith.muli %add3A_385, %mul3A_386 : i32
    %dma_start3A_388 = tpu.memref_slice %arg4[%mul3A_387] : memref<18874368xf32, #tpu.memory_space<hbm>> -> memref<49152xf32, #tpu.memory_space<hbm>>
    %dma_start3A_389 = tpu.memref_slice %arg4[%mul3A_387] : memref<18874368xf32, #tpu.memory_space<hbm>> -> memref<49152xf32, #tpu.memory_space<hbm>>
    tpu.enqueue_dma source(%arg6 : memref<49152xf32, #tpu.memory_space<vmem>>) target(%dma_start3A_389 : memref<49152xf32, #tpu.memory_space<hbm>>) target_semaphore(%arg8 : memref<!tpu.dma_semaphore, #tpu.memory_space<semaphore_mem>>)
    %add3A_390 = arith.constant 336 : i32
    %add3A_391 = arith.addi %mul3A_2, %add3A_390 : i32
    %mul3A_392 = arith.constant 1024 : i32
    %mul3A_393 = arith.muli %add3A_391, %mul3A_392 : i32
    %dma_wait3A_394 = tpu.memref_slice %arg4[%mul3A_393] : memref<18874368xf32, #tpu.memory_space<hbm>> -> memref<49152xf32, #tpu.memory_space<hbm>>
    %dma_wait3A_395 = tpu.memref_slice %arg4[%mul3A_393] : memref<18874368xf32, #tpu.memory_space<hbm>> -> memref<49152xf32, #tpu.memory_space<hbm>>
    tpu.wait_dma2 semaphore(%arg9 : memref<!tpu.dma_semaphore, #tpu.memory_space<semaphore_mem>>) src(%arg7 : memref<49152xf32, #tpu.memory_space<vmem>>) dst(%dma_wait3A_395 : memref<49152xf32, #tpu.memory_space<hbm>>)
    %get3A_396 = arith.constant 336 : index
    %get3A_397 = tpu.vector_load %arg5[%get3A_396] {strides = array<i32>} : memref<576xi32, #tpu.memory_space<vmem>>, vector<16xi32>,
    %add3A_398 = arith.constant 0 : i32
    %add3A_399 = vector.broadcast %add3A_398 : i32 to vector<16xi32>
    %add3A_400 = arith.addi %mul3A_8, %add3A_399 : vector<16xi32>
    %add3A_401 = arith.addi %add3A_400, %get3A_397 : vector<16xi32>
    tpu.vector_store_idx %arg7[%add3A_401], %broadcast_in_dim3A_5 : memref<49152xf32, #tpu.memory_space<vmem>>[vector<16xi32>], vector<16xf32>,
    %get3A_402 = arith.constant 352 : index
    %get3A_403 = tpu.vector_load %arg5[%get3A_402] {strides = array<i32>} : memref<576xi32, #tpu.memory_space<vmem>>, vector<16xi32>,
    %add3A_404 = arith.constant 16384 : i32
    %add3A_405 = vector.broadcast %add3A_404 : i32 to vector<16xi32>
    %add3A_406 = arith.addi %mul3A_8, %add3A_405 : vector<16xi32>
    %add3A_407 = arith.addi %add3A_406, %get3A_403 : vector<16xi32>
    tpu.vector_store_idx %arg7[%add3A_407], %broadcast_in_dim3A_5 : memref<49152xf32, #tpu.memory_space<vmem>>[vector<16xi32>], vector<16xf32>,
    %get3A_408 = arith.constant 368 : index
    %get3A_409 = tpu.vector_load %arg5[%get3A_408] {strides = array<i32>} : memref<576xi32, #tpu.memory_space<vmem>>, vector<16xi32>,
    %add3A_410 = arith.constant 32768 : i32
    %add3A_411 = vector.broadcast %add3A_410 : i32 to vector<16xi32>
    %add3A_412 = arith.addi %mul3A_8, %add3A_411 : vector<16xi32>
    %add3A_413 = arith.addi %add3A_412, %get3A_409 : vector<16xi32>
    tpu.vector_store_idx %arg7[%add3A_413], %broadcast_in_dim3A_5 : memref<49152xf32, #tpu.memory_space<vmem>>[vector<16xi32>], vector<16xf32>,
    %get3A_414 = arith.constant 432 : index
    %get3A_415 = tpu.vector_load %arg5[%get3A_414] {strides = array<i32>} : memref<576xi32, #tpu.memory_space<vmem>>, vector<16xi32>,
    %add3A_416 = arith.constant 0 : i32
    %add3A_417 = vector.broadcast %add3A_416 : i32 to vector<16xi32>
    %add3A_418 = arith.addi %mul3A_8, %add3A_417 : vector<16xi32>
    %add3A_419 = arith.addi %add3A_418, %get3A_415 : vector<16xi32>
    tpu.vector_store_idx %arg7[%add3A_419], %broadcast_in_dim3A_3 : memref<49152xf32, #tpu.memory_space<vmem>>[vector<16xi32>], vector<16xf32>,
    %get3A_420 = arith.constant 448 : index
    %get3A_421 = tpu.vector_load %arg5[%get3A_420] {strides = array<i32>} : memref<576xi32, #tpu.memory_space<vmem>>, vector<16xi32>,
    %add3A_422 = arith.constant 16384 : i32
    %add3A_423 = vector.broadcast %add3A_422 : i32 to vector<16xi32>
    %add3A_424 = arith.addi %mul3A_8, %add3A_423 : vector<16xi32>
    %add3A_425 = arith.addi %add3A_424, %get3A_421 : vector<16xi32>
    tpu.vector_store_idx %arg7[%add3A_425], %broadcast_in_dim3A_3 : memref<49152xf32, #tpu.memory_space<vmem>>[vector<16xi32>], vector<16xf32>,
    %get3A_426 = arith.constant 464 : index
    %get3A_427 = tpu.vector_load %arg5[%get3A_426] {strides = array<i32>} : memref<576xi32, #tpu.memory_space<vmem>>, vector<16xi32>,
    %add3A_428 = arith.constant 32768 : i32
    %add3A_429 = vector.broadcast %add3A_428 : i32 to vector<16xi32>
    %add3A_430 = arith.addi %mul3A_8, %add3A_429 : vector<16xi32>
    %add3A_431 = arith.addi %add3A_430, %get3A_427 : vector<16xi32>
    tpu.vector_store_idx %arg7[%add3A_431], %broadcast_in_dim3A_3 : memref<49152xf32, #tpu.memory_space<vmem>>[vector<16xi32>], vector<16xf32>,
    %add3A_432 = arith.constant 432 : i32
    %add3A_433 = arith.addi %mul3A_2, %add3A_432 : i32
    %mul3A_434 = arith.constant 1024 : i32
    %mul3A_435 = arith.muli %add3A_433, %mul3A_434 : i32
    %dma_start3A_436 = tpu.memref_slice %arg4[%mul3A_435] : memref<18874368xf32, #tpu.memory_space<hbm>> -> memref<49152xf32, #tpu.memory_space<hbm>>
    %dma_start3A_437 = tpu.memref_slice %arg4[%mul3A_435] : memref<18874368xf32, #tpu.memory_space<hbm>> -> memref<49152xf32, #tpu.memory_space<hbm>>
    tpu.enqueue_dma source(%arg7 : memref<49152xf32, #tpu.memory_space<vmem>>) target(%dma_start3A_437 : memref<49152xf32, #tpu.memory_space<hbm>>) target_semaphore(%arg9 : memref<!tpu.dma_semaphore, #tpu.memory_space<semaphore_mem>>)
    %add3A_438 = arith.constant 384 : i32
    %add3A_439 = arith.addi %mul3A_2, %add3A_438 : i32
    %mul3A_440 = arith.constant 1024 : i32
    %mul3A_441 = arith.muli %add3A_439, %mul3A_440 : i32
    %dma_wait3A_442 = tpu.memref_slice %arg4[%mul3A_441] : memref<18874368xf32, #tpu.memory_space<hbm>> -> memref<49152xf32, #tpu.memory_space<hbm>>
    %dma_wait3A_443 = tpu.memref_slice %arg4[%mul3A_441] : memref<18874368xf32, #tpu.memory_space<hbm>> -> memref<49152xf32, #tpu.memory_space<hbm>>
    tpu.wait_dma2 semaphore(%arg8 : memref<!tpu.dma_semaphore, #tpu.memory_space<semaphore_mem>>) src(%arg6 : memref<49152xf32, #tpu.memory_space<vmem>>) dst(%dma_wait3A_443 : memref<49152xf32, #tpu.memory_space<hbm>>)
    %get3A_444 = arith.constant 384 : index
    %get3A_445 = tpu.vector_load %arg5[%get3A_444] {strides = array<i32>} : memref<576xi32, #tpu.memory_space<vmem>>, vector<16xi32>,
    %add3A_446 = arith.constant 0 : i32
    %add3A_447 = vector.broadcast %add3A_446 : i32 to vector<16xi32>
    %add3A_448 = arith.addi %mul3A_8, %add3A_447 : vector<16xi32>
    %add3A_449 = arith.addi %add3A_448, %get3A_445 : vector<16xi32>
    tpu.vector_store_idx %arg6[%add3A_449], %broadcast_in_dim3A_5 : memref<49152xf32, #tpu.memory_space<vmem>>[vector<16xi32>], vector<16xf32>,
    %get3A_450 = arith.constant 400 : index
    %get3A_451 = tpu.vector_load %arg5[%get3A_450] {strides = array<i32>} : memref<576xi32, #tpu.memory_space<vmem>>, vector<16xi32>,
    %add3A_452 = arith.constant 16384 : i32
    %add3A_453 = vector.broadcast %add3A_452 : i32 to vector<16xi32>
    %add3A_454 = arith.addi %mul3A_8, %add3A_453 : vector<16xi32>
    %add3A_455 = arith.addi %add3A_454, %get3A_451 : vector<16xi32>
    tpu.vector_store_idx %arg6[%add3A_455], %broadcast_in_dim3A_5 : memref<49152xf32, #tpu.memory_space<vmem>>[vector<16xi32>], vector<16xf32>,
    %get3A_456 = arith.constant 416 : index
    %get3A_457 = tpu.vector_load %arg5[%get3A_456] {strides = array<i32>} : memref<576xi32, #tpu.memory_space<vmem>>, vector<16xi32>,
    %add3A_458 = arith.constant 32768 : i32
    %add3A_459 = vector.broadcast %add3A_458 : i32 to vector<16xi32>
    %add3A_460 = arith.addi %mul3A_8, %add3A_459 : vector<16xi32>
    %add3A_461 = arith.addi %add3A_460, %get3A_457 : vector<16xi32>
    tpu.vector_store_idx %arg6[%add3A_461], %broadcast_in_dim3A_5 : memref<49152xf32, #tpu.memory_space<vmem>>[vector<16xi32>], vector<16xf32>,
    %get3A_462 = arith.constant 480 : index
    %get3A_463 = tpu.vector_load %arg5[%get3A_462] {strides = array<i32>} : memref<576xi32, #tpu.memory_space<vmem>>, vector<16xi32>,
    %add3A_464 = arith.constant 0 : i32
    %add3A_465 = vector.broadcast %add3A_464 : i32 to vector<16xi32>
    %add3A_466 = arith.addi %mul3A_8, %add3A_465 : vector<16xi32>
    %add3A_467 = arith.addi %add3A_466, %get3A_463 : vector<16xi32>
    tpu.vector_store_idx %arg6[%add3A_467], %broadcast_in_dim3A_3 : memref<49152xf32, #tpu.memory_space<vmem>>[vector<16xi32>], vector<16xf32>,
    %get3A_468 = arith.constant 496 : index
    %get3A_469 = tpu.vector_load %arg5[%get3A_468] {strides = array<i32>} : memref<576xi32, #tpu.memory_space<vmem>>, vector<16xi32>,
    %add3A_470 = arith.constant 16384 : i32
    %add3A_471 = vector.broadcast %add3A_470 : i32 to vector<16xi32>
    %add3A_472 = arith.addi %mul3A_8, %add3A_471 : vector<16xi32>
    %add3A_473 = arith.addi %add3A_472, %get3A_469 : vector<16xi32>
    tpu.vector_store_idx %arg6[%add3A_473], %broadcast_in_dim3A_3 : memref<49152xf32, #tpu.memory_space<vmem>>[vector<16xi32>], vector<16xf32>,
    %get3A_474 = arith.constant 512 : index
    %get3A_475 = tpu.vector_load %arg5[%get3A_474] {strides = array<i32>} : memref<576xi32, #tpu.memory_space<vmem>>, vector<16xi32>,
    %add3A_476 = arith.constant 32768 : i32
    %add3A_477 = vector.broadcast %add3A_476 : i32 to vector<16xi32>
    %add3A_478 = arith.addi %mul3A_8, %add3A_477 : vector<16xi32>
    %add3A_479 = arith.addi %add3A_478, %get3A_475 : vector<16xi32>
    tpu.vector_store_idx %arg6[%add3A_479], %broadcast_in_dim3A_3 : memref<49152xf32, #tpu.memory_space<vmem>>[vector<16xi32>], vector<16xf32>,
    %add3A_480 = arith.constant 480 : i32
    %add3A_481 = arith.addi %mul3A_2, %add3A_480 : i32
    %mul3A_482 = arith.constant 1024 : i32
    %mul3A_483 = arith.muli %add3A_481, %mul3A_482 : i32
    %dma_start3A_484 = tpu.memref_slice %arg4[%mul3A_483] : memref<18874368xf32, #tpu.memory_space<hbm>> -> memref<49152xf32, #tpu.memory_space<hbm>>
    %dma_start3A_485 = tpu.memref_slice %arg4[%mul3A_483] : memref<18874368xf32, #tpu.memory_space<hbm>> -> memref<49152xf32, #tpu.memory_space<hbm>>
    tpu.enqueue_dma source(%arg6 : memref<49152xf32, #tpu.memory_space<vmem>>) target(%dma_start3A_485 : memref<49152xf32, #tpu.memory_space<hbm>>) target_semaphore(%arg8 : memref<!tpu.dma_semaphore, #tpu.memory_space<semaphore_mem>>)
    %add3A_486 = arith.constant 432 : i32
    %add3A_487 = arith.addi %mul3A_2, %add3A_486 : i32
    %mul3A_488 = arith.constant 1024 : i32
    %mul3A_489 = arith.muli %add3A_487, %mul3A_488 : i32
    %dma_wait3A_490 = tpu.memref_slice %arg4[%mul3A_489] : memref<18874368xf32, #tpu.memory_space<hbm>> -> memref<49152xf32, #tpu.memory_space<hbm>>
    %dma_wait3A_491 = tpu.memref_slice %arg4[%mul3A_489] : memref<18874368xf32, #tpu.memory_space<hbm>> -> memref<49152xf32, #tpu.memory_space<hbm>>
    tpu.wait_dma2 semaphore(%arg9 : memref<!tpu.dma_semaphore, #tpu.memory_space<semaphore_mem>>) src(%arg7 : memref<49152xf32, #tpu.memory_space<vmem>>) dst(%dma_wait3A_491 : memref<49152xf32, #tpu.memory_space<hbm>>)
    %get3A_492 = arith.constant 432 : index
    %get3A_493 = tpu.vector_load %arg5[%get3A_492] {strides = array<i32>} : memref<576xi32, #tpu.memory_space<vmem>>, vector<16xi32>,
    %add3A_494 = arith.constant 0 : i32
    %add3A_495 = vector.broadcast %add3A_494 : i32 to vector<16xi32>
    %add3A_496 = arith.addi %mul3A_8, %add3A_495 : vector<16xi32>
    %add3A_497 = arith.addi %add3A_496, %get3A_493 : vector<16xi32>
    tpu.vector_store_idx %arg7[%add3A_497], %broadcast_in_dim3A_5 : memref<49152xf32, #tpu.memory_space<vmem>>[vector<16xi32>], vector<16xf32>,
    %get3A_498 = arith.constant 448 : index
    %get3A_499 = tpu.vector_load %arg5[%get3A_498] {strides = array<i32>} : memref<576xi32, #tpu.memory_space<vmem>>, vector<16xi32>,
    %add3A_500 = arith.constant 16384 : i32
    %add3A_501 = vector.broadcast %add3A_500 : i32 to vector<16xi32>
    %add3A_502 = arith.addi %mul3A_8, %add3A_501 : vector<16xi32>
    %add3A_503 = arith.addi %add3A_502, %get3A_499 : vector<16xi32>
    tpu.vector_store_idx %arg7[%add3A_503], %broadcast_in_dim3A_5 : memref<49152xf32, #tpu.memory_space<vmem>>[vector<16xi32>], vector<16xf32>,
    %get3A_504 = arith.constant 464 : index
    %get3A_505 = tpu.vector_load %arg5[%get3A_504] {strides = array<i32>} : memref<576xi32, #tpu.memory_space<vmem>>, vector<16xi32>,
    %add3A_506 = arith.constant 32768 : i32
    %add3A_507 = vector.broadcast %add3A_506 : i32 to vector<16xi32>
    %add3A_508 = arith.addi %mul3A_8, %add3A_507 : vector<16xi32>
    %add3A_509 = arith.addi %add3A_508, %get3A_505 : vector<16xi32>
    tpu.vector_store_idx %arg7[%add3A_509], %broadcast_in_dim3A_5 : memref<49152xf32, #tpu.memory_space<vmem>>[vector<16xi32>], vector<16xf32>,
    %get3A_510 = arith.constant 528 : index
    %get3A_511 = tpu.vector_load %arg5[%get3A_510] {strides = array<i32>} : memref<576xi32, #tpu.memory_space<vmem>>, vector<16xi32>,
    %add3A_512 = arith.constant 0 : i32
    %add3A_513 = vector.broadcast %add3A_512 : i32 to vector<16xi32>
    %add3A_514 = arith.addi %mul3A_8, %add3A_513 : vector<16xi32>
    %add3A_515 = arith.addi %add3A_514, %get3A_511 : vector<16xi32>
    tpu.vector_store_idx %arg7[%add3A_515], %broadcast_in_dim3A_3 : memref<49152xf32, #tpu.memory_space<vmem>>[vector<16xi32>], vector<16xf32>,
    %get3A_516 = arith.constant 544 : index
    %get3A_517 = tpu.vector_load %arg5[%get3A_516] {strides = array<i32>} : memref<576xi32, #tpu.memory_space<vmem>>, vector<16xi32>,
    %add3A_518 = arith.constant 16384 : i32
    %add3A_519 = vector.broadcast %add3A_518 : i32 to vector<16xi32>
    %add3A_520 = arith.addi %mul3A_8, %add3A_519 : vector<16xi32>
    %add3A_521 = arith.addi %add3A_520, %get3A_517 : vector<16xi32>
    tpu.vector_store_idx %arg7[%add3A_521], %broadcast_in_dim3A_3 : memref<49152xf32, #tpu.memory_space<vmem>>[vector<16xi32>], vector<16xf32>,
    %get3A_522 = arith.constant 560 : index
    %get3A_523 = tpu.vector_load %arg5[%get3A_522] {strides = array<i32>} : memref<576xi32, #tpu.memory_space<vmem>>, vector<16xi32>,
    %add3A_524 = arith.constant 32768 : i32
    %add3A_525 = vector.broadcast %add3A_524 : i32 to vector<16xi32>
    %add3A_526 = arith.addi %mul3A_8, %add3A_525 : vector<16xi32>
    %add3A_527 = arith.addi %add3A_526, %get3A_523 : vector<16xi32>
    tpu.vector_store_idx %arg7[%add3A_527], %broadcast_in_dim3A_3 : memref<49152xf32, #tpu.memory_space<vmem>>[vector<16xi32>], vector<16xf32>,
    %add3A_528 = arith.constant 528 : i32
    %add3A_529 = arith.addi %mul3A_2, %add3A_528 : i32
    %mul3A_530 = arith.constant 1024 : i32
    %mul3A_531 = arith.muli %add3A_529, %mul3A_530 : i32
    %dma_start3A_532 = tpu.memref_slice %arg4[%mul3A_531] : memref<18874368xf32, #tpu.memory_space<hbm>> -> memref<49152xf32, #tpu.memory_space<hbm>>
    %dma_start3A_533 = tpu.memref_slice %arg4[%mul3A_531] : memref<18874368xf32, #tpu.memory_space<hbm>> -> memref<49152xf32, #tpu.memory_space<hbm>>
    tpu.enqueue_dma source(%arg7 : memref<49152xf32, #tpu.memory_space<vmem>>) target(%dma_start3A_533 : memref<49152xf32, #tpu.memory_space<hbm>>) target_semaphore(%arg9 : memref<!tpu.dma_semaphore, #tpu.memory_space<semaphore_mem>>)
    %add3A_534 = arith.constant 480 : i32
    %add3A_535 = arith.addi %mul3A_2, %add3A_534 : i32
    %mul3A_536 = arith.constant 1024 : i32
    %mul3A_537 = arith.muli %add3A_535, %mul3A_536 : i32
    %dma_wait3A_538 = tpu.memref_slice %arg4[%mul3A_537] : memref<18874368xf32, #tpu.memory_space<hbm>> -> memref<49152xf32, #tpu.memory_space<hbm>>
    %dma_wait3A_539 = tpu.memref_slice %arg4[%mul3A_537] : memref<18874368xf32, #tpu.memory_space<hbm>> -> memref<49152xf32, #tpu.memory_space<hbm>>
    tpu.wait_dma2 semaphore(%arg8 : memref<!tpu.dma_semaphore, #tpu.memory_space<semaphore_mem>>) src(%arg6 : memref<49152xf32, #tpu.memory_space<vmem>>) dst(%dma_wait3A_539 : memref<49152xf32, #tpu.memory_space<hbm>>)
    %add3A_540 = arith.constant 528 : i32
    %add3A_541 = arith.addi %mul3A_2, %add3A_540 : i32
    %mul3A_542 = arith.constant 1024 : i32
    %mul3A_543 = arith.muli %add3A_541, %mul3A_542 : i32
    %dma_wait3A_544 = tpu.memref_slice %arg4[%mul3A_543] : memref<18874368xf32, #tpu.memory_space<hbm>> -> memref<49152xf32, #tpu.memory_space<hbm>>
    %dma_wait3A_545 = tpu.memref_slice %arg4[%mul3A_543] : memref<18874368xf32, #tpu.memory_space<hbm>> -> memref<49152xf32, #tpu.memory_space<hbm>>
    tpu.wait_dma2 semaphore(%arg9 : memref<!tpu.dma_semaphore, #tpu.memory_space<semaphore_mem>>) src(%arg7 : memref<49152xf32, #tpu.memory_space<vmem>>) dst(%dma_wait3A_545 : memref<49152xf32, #tpu.memory_space<hbm>>)
    return
  }
}

module attributes {stable_mosaic.version = 14 : i64} {
  func.func @_stage1(%arg0: i32, %arg1: memref<1x576x768xf32, #tpu.memory_space<vmem>>, %arg2: memref<4x192x64xf32, #tpu.memory_space<vmem>>, %arg3: memref<4x64xf32, #tpu.memory_space<vmem>>, %arg4: memref<4x64xf32, #tpu.memory_space<vmem>>, %arg5: memref<4x64x1024xf32, #tpu.memory_space<vmem>>, %arg6: memref<1x576x256xf32, #tpu.memory_space<vmem>>, %arg7: memref<1x576x4xi32, #tpu.memory_space<vmem>>) attributes {dimension_semantics = [#tpu.dimension_semantics<arbitrary>], iteration_bounds = array<i64: 8>, scalar_prefetch = 0 : i64, scratch_operands = 0 : i64, tpu.core_type = #tpu.core_type<tc>, window_params = [{transform_indices = @transform_0, window_bounds = array<i64: 1, 576, 768>}, {pipeline_mode = #tpu.pipeline_mode<synchronous>, transform_indices = @transform_1, window_bounds = array<i64: 4, 192, 64>}, {pipeline_mode = #tpu.pipeline_mode<synchronous>, transform_indices = @transform_2, window_bounds = array<i64: 4, 64>}, {pipeline_mode = #tpu.pipeline_mode<synchronous>, transform_indices = @transform_3, window_bounds = array<i64: 4, 64>}, {pipeline_mode = #tpu.pipeline_mode<synchronous>, transform_indices = @transform_4, window_bounds = array<i64: 4, 64, 1024>}, {transform_indices = @transform_5, window_bounds = array<i64: 1, 576, 256>}, {transform_indices = @transform_6, window_bounds = array<i64: 1, 576, 4>}]} {
    %get3A = arith.constant 0 : index
    %get3A_0 = arith.constant 0 : index
    %get3A_1 = arith.constant 0 : index
    %get3A_2 = vector.load %arg1[%get3A, %get3A_0, %get3A_1] : memref<1x576x768xf32, #tpu.memory_space<vmem>>, vector<1x576x768xf32>
    %get3A_3 = vector.shape_cast %get3A_2 : vector<1x576x768xf32> to vector<576x768xf32>
    %slice3A = vector.extract_strided_slice %get3A_3 {offsets = [0, 0], sizes = [576, 192], strides = [1, 1]} : vector<576x768xf32> to vector<576x192xf32>
    %get3A_4 = arith.constant 0 : index
    %get3A_5 = arith.constant 0 : index
    %get3A_6 = arith.constant 0 : index
    %get3A_7 = vector.load %arg2[%get3A_4, %get3A_5, %get3A_6] : memref<4x192x64xf32, #tpu.memory_space<vmem>>, vector<1x192x64xf32>
    %get3A_8 = vector.shape_cast %get3A_7 : vector<1x192x64xf32> to vector<192x64xf32>
    %dot_general3A = arith.constant dense<0.000000e+00> : vector<576x64xf32>
    %dot_general3A_9 = tpu.matmul %slice3A, %get3A_8, %dot_general3A {dimension_numbers = #tpu.dot_dimension_numbers<[1], [0], [0], [1], [0, 0, 1, 1], [], []>, transpose_lhs_hint = false} : vector<576x192xf32>, vector<192x64xf32>, vector<576x64xf32> -> vector<576x64xf32>
    %reduce_sum3A = vector.shape_cast %dot_general3A_9 : vector<576x64xf32> to vector<1x576x64xf32>
    %reduce_sum3A_10 = arith.constant dense<0.000000e+00> : vector<1xf32>
    %reduce_sum3A_11 = vector.multi_reduction <add>, %reduce_sum3A, %reduce_sum3A_10 [1, 2] : vector<1x576x64xf32> to vector<1xf32>
    %reduce_sum3A_12 = vector.shape_cast %reduce_sum3A_11 : vector<1xf32> to vector<1x1x1xf32>
    %reduce_sum3A_13 = vector.extract %reduce_sum3A_12[0, 0, 0] : f32 from vector<1x1x1xf32>
    %div3A = arith.constant 3.686400e+04 : f32
    %div3A_14 = arith.divf %reduce_sum3A_13, %div3A : f32
    %sub3A = vector.broadcast %div3A_14 : f32 to vector<576x64xf32>
    %sub3A_15 = arith.subf %dot_general3A_9, %sub3A : vector<576x64xf32>
    %integer_pow3A = arith.mulf %sub3A_15, %sub3A_15 : vector<576x64xf32>
    %reduce_sum3A_16 = vector.shape_cast %integer_pow3A : vector<576x64xf32> to vector<1x576x64xf32>
    %reduce_sum3A_17 = arith.constant dense<0.000000e+00> : vector<1xf32>
    %reduce_sum3A_18 = vector.multi_reduction <add>, %reduce_sum3A_16, %reduce_sum3A_17 [1, 2] : vector<1x576x64xf32> to vector<1xf32>
    %reduce_sum3A_19 = vector.shape_cast %reduce_sum3A_18 : vector<1xf32> to vector<1x1x1xf32>
    %reduce_sum3A_20 = vector.extract %reduce_sum3A_19[0, 0, 0] : f32 from vector<1x1x1xf32>
    %div3A_21 = arith.constant 3.686400e+04 : f32
    %div3A_22 = arith.divf %reduce_sum3A_20, %div3A_21 : f32
    %sub3A_23 = vector.broadcast %div3A_14 : f32 to vector<576x64xf32>
    %sub3A_24 = arith.subf %dot_general3A_9, %sub3A_23 : vector<576x64xf32>
    %add3A = arith.constant 9.99999974E-6 : f32
    %add3A_25 = arith.addf %div3A_22, %add3A : f32
    %rsqrt3A = math.rsqrt %add3A_25 : f32
    %mul3A = vector.broadcast %rsqrt3A : f32 to vector<576x64xf32>
    %mul3A_26 = arith.mulf %sub3A_24, %mul3A : vector<576x64xf32>
    %get3A_27 = arith.constant 0 : index
    %get3A_28 = arith.constant 0 : index
    %get3A_29 = vector.load %arg3[%get3A_27, %get3A_28] : memref<4x64xf32, #tpu.memory_space<vmem>>, vector<1x64xf32>
    %get3A_30 = vector.shape_cast %get3A_29 : vector<1x64xf32> to vector<64xf32>
    %broadcast_in_dim3A = vector.shape_cast %get3A_30 : vector<64xf32> to vector<1x64xf32>
    %mul3A_31 = vector.broadcast %broadcast_in_dim3A : vector<1x64xf32> to vector<576x64xf32>
    %mul3A_32 = arith.mulf %mul3A_26, %mul3A_31 : vector<576x64xf32>
    %get3A_33 = arith.constant 0 : index
    %get3A_34 = arith.constant 0 : index
    %get3A_35 = vector.load %arg4[%get3A_33, %get3A_34] : memref<4x64xf32, #tpu.memory_space<vmem>>, vector<1x64xf32>
    %get3A_36 = vector.shape_cast %get3A_35 : vector<1x64xf32> to vector<64xf32>
    %broadcast_in_dim3A_37 = vector.shape_cast %get3A_36 : vector<64xf32> to vector<1x64xf32>
    %add3A_38 = vector.broadcast %broadcast_in_dim3A_37 : vector<1x64xf32> to vector<576x64xf32>
    %add3A_39 = arith.addf %mul3A_32, %add3A_38 : vector<576x64xf32>
    %swap3A = arith.constant 0 : index
    %swap3A_40 = arith.constant 0 : index
    %swap3A_41 = arith.constant 0 : index
    %swap3A_42 = vector.load %arg6[%swap3A, %swap3A_40, %swap3A_41] : memref<1x576x256xf32, #tpu.memory_space<vmem>>, vector<1x576x64xf32>
    %swap3A_43 = vector.shape_cast %swap3A_42 : vector<1x576x64xf32> to vector<576x64xf32>
    %swap3A_44 = vector.shape_cast %add3A_39 : vector<576x64xf32> to vector<1x576x64xf32>
    tpu.vector_store %arg6[%swap3A, %swap3A_40, %swap3A_41], %swap3A_44 {strides = array<i32>} : memref<1x576x256xf32, #tpu.memory_space<vmem>>, vector<1x576x64xf32>,
    %get3A_45 = arith.constant 0 : index
    %get3A_46 = arith.constant 0 : index
    %get3A_47 = arith.constant 0 : index
    %get3A_48 = vector.load %arg5[%get3A_45, %get3A_46, %get3A_47] : memref<4x64x1024xf32, #tpu.memory_space<vmem>>, vector<1x64x1024xf32>
    %get3A_49 = vector.shape_cast %get3A_48 : vector<1x64x1024xf32> to vector<64x1024xf32>
    %dot_general3A_50 = arith.constant dense<0.000000e+00> : vector<576x1024xf32>
    %dot_general3A_51 = tpu.matmul %add3A_39, %get3A_49, %dot_general3A_50 {dimension_numbers = #tpu.dot_dimension_numbers<[1], [0], [0], [1], [0, 0, 1, 1], [], []>, transpose_lhs_hint = false} : vector<576x64xf32>, vector<64x1024xf32>, vector<576x1024xf32> -> vector<576x1024xf32>
    %mul3A_52 = arith.mulf %add3A_39, %add3A_39 : vector<576x64xf32>
    %reduce_sum3A_53 = arith.constant dense<0.000000e+00> : vector<576xf32>
    %reduce_sum3A_54 = vector.multi_reduction <add>, %mul3A_52, %reduce_sum3A_53 [1] : vector<576x64xf32> to vector<576xf32>
    %broadcast_in_dim3A_55 = vector.shape_cast %reduce_sum3A_54 : vector<576xf32> to vector<576x1xf32>
    %get3A_56 = arith.constant 0 : index
    %get3A_57 = arith.constant 0 : index
    %get3A_58 = arith.constant 0 : index
    %get3A_59 = vector.load %arg5[%get3A_56, %get3A_57, %get3A_58] : memref<4x64x1024xf32, #tpu.memory_space<vmem>>, vector<1x64x1024xf32>
    %get3A_60 = vector.shape_cast %get3A_59 : vector<1x64x1024xf32> to vector<64x1024xf32>
    %integer_pow3A_61 = arith.mulf %get3A_60, %get3A_60 : vector<64x1024xf32>
    %reduce_sum3A_62 = arith.constant dense<0.000000e+00> : vector<1024xf32>
    %reduce_sum3A_63 = vector.multi_reduction <add>, %integer_pow3A_61, %reduce_sum3A_62 [0] : vector<64x1024xf32> to vector<1024xf32>
    %broadcast_in_dim3A_64 = vector.shape_cast %reduce_sum3A_63 : vector<1024xf32> to vector<1x1024xf32>
    %add3A_65 = vector.broadcast %broadcast_in_dim3A_55 : vector<576x1xf32> to vector<576x1024xf32>
    %add3A_66 = vector.broadcast %broadcast_in_dim3A_64 : vector<1x1024xf32> to vector<576x1024xf32>
    %add3A_67 = arith.addf %add3A_65, %add3A_66 : vector<576x1024xf32>
    %mul3A_68 = arith.constant 2.000000e+00 : f32
    %mul3A_69 = vector.broadcast %mul3A_68 : f32 to vector<576x1024xf32>
    %mul3A_70 = arith.mulf %mul3A_69, %dot_general3A_51 : vector<576x1024xf32>
    %sub3A_71 = arith.subf %add3A_67, %mul3A_70 : vector<576x1024xf32>
    %argmin3A = tpu.reduce_index %sub3A_71 {axis = 1 : i32, kind = #tpu.reduction_kind<arg_min>} : vector<576x1024xf32> -> vector<576xi32>
    %swap3A_72 = arith.constant 0 : index
    %swap3A_73 = arith.constant 0 : index
    %swap3A_74 = arith.constant 0 : index
    %swap3A_75 = vector.load %arg7[%swap3A_72, %swap3A_73, %swap3A_74] : memref<1x576x4xi32, #tpu.memory_space<vmem>>, vector<1x576x1xi32>
    %swap3A_76 = vector.shape_cast %swap3A_75 : vector<1x576x1xi32> to vector<576xi32>
    %swap3A_77 = vector.shape_cast %argmin3A : vector<576xi32> to vector<1x576x1xi32>
    tpu.vector_store %arg7[%swap3A_72, %swap3A_73, %swap3A_74], %swap3A_77 {strides = array<i32>} : memref<1x576x4xi32, #tpu.memory_space<vmem>>, vector<1x576x1xi32>,
    %slice3A_78 = vector.extract_strided_slice %get3A_3 {offsets = [0, 192], sizes = [576, 192], strides = [1, 1]} : vector<576x768xf32> to vector<576x192xf32>
    %get3A_79 = arith.constant 1 : index
    %get3A_80 = arith.constant 0 : index
    %get3A_81 = arith.constant 0 : index
    %get3A_82 = vector.load %arg2[%get3A_79, %get3A_80, %get3A_81] : memref<4x192x64xf32, #tpu.memory_space<vmem>>, vector<1x192x64xf32>
    %get3A_83 = vector.shape_cast %get3A_82 : vector<1x192x64xf32> to vector<192x64xf32>
    %dot_general3A_84 = arith.constant dense<0.000000e+00> : vector<576x64xf32>
    %dot_general3A_85 = tpu.matmul %slice3A_78, %get3A_83, %dot_general3A_84 {dimension_numbers = #tpu.dot_dimension_numbers<[1], [0], [0], [1], [0, 0, 1, 1], [], []>, transpose_lhs_hint = false} : vector<576x192xf32>, vector<192x64xf32>, vector<576x64xf32> -> vector<576x64xf32>
    %reduce_sum3A_86 = vector.shape_cast %dot_general3A_85 : vector<576x64xf32> to vector<1x576x64xf32>
    %reduce_sum3A_87 = arith.constant dense<0.000000e+00> : vector<1xf32>
    %reduce_sum3A_88 = vector.multi_reduction <add>, %reduce_sum3A_86, %reduce_sum3A_87 [1, 2] : vector<1x576x64xf32> to vector<1xf32>
    %reduce_sum3A_89 = vector.shape_cast %reduce_sum3A_88 : vector<1xf32> to vector<1x1x1xf32>
    %reduce_sum3A_90 = vector.extract %reduce_sum3A_89[0, 0, 0] : f32 from vector<1x1x1xf32>
    %div3A_91 = arith.constant 3.686400e+04 : f32
    %div3A_92 = arith.divf %reduce_sum3A_90, %div3A_91 : f32
    %sub3A_93 = vector.broadcast %div3A_92 : f32 to vector<576x64xf32>
    %sub3A_94 = arith.subf %dot_general3A_85, %sub3A_93 : vector<576x64xf32>
    %integer_pow3A_95 = arith.mulf %sub3A_94, %sub3A_94 : vector<576x64xf32>
    %reduce_sum3A_96 = vector.shape_cast %integer_pow3A_95 : vector<576x64xf32> to vector<1x576x64xf32>
    %reduce_sum3A_97 = arith.constant dense<0.000000e+00> : vector<1xf32>
    %reduce_sum3A_98 = vector.multi_reduction <add>, %reduce_sum3A_96, %reduce_sum3A_97 [1, 2] : vector<1x576x64xf32> to vector<1xf32>
    %reduce_sum3A_99 = vector.shape_cast %reduce_sum3A_98 : vector<1xf32> to vector<1x1x1xf32>
    %reduce_sum3A_100 = vector.extract %reduce_sum3A_99[0, 0, 0] : f32 from vector<1x1x1xf32>
    %div3A_101 = arith.constant 3.686400e+04 : f32
    %div3A_102 = arith.divf %reduce_sum3A_100, %div3A_101 : f32
    %sub3A_103 = vector.broadcast %div3A_92 : f32 to vector<576x64xf32>
    %sub3A_104 = arith.subf %dot_general3A_85, %sub3A_103 : vector<576x64xf32>
    %add3A_105 = arith.constant 9.99999974E-6 : f32
    %add3A_106 = arith.addf %div3A_102, %add3A_105 : f32
    %rsqrt3A_107 = math.rsqrt %add3A_106 : f32
    %mul3A_108 = vector.broadcast %rsqrt3A_107 : f32 to vector<576x64xf32>
    %mul3A_109 = arith.mulf %sub3A_104, %mul3A_108 : vector<576x64xf32>
    %get3A_110 = arith.constant 1 : index
    %get3A_111 = arith.constant 0 : index
    %get3A_112 = vector.load %arg3[%get3A_110, %get3A_111] : memref<4x64xf32, #tpu.memory_space<vmem>>, vector<1x64xf32>
    %get3A_113 = vector.shape_cast %get3A_112 : vector<1x64xf32> to vector<64xf32>
    %broadcast_in_dim3A_114 = vector.shape_cast %get3A_113 : vector<64xf32> to vector<1x64xf32>
    %mul3A_115 = vector.broadcast %broadcast_in_dim3A_114 : vector<1x64xf32> to vector<576x64xf32>
    %mul3A_116 = arith.mulf %mul3A_109, %mul3A_115 : vector<576x64xf32>
    %get3A_117 = arith.constant 1 : index
    %get3A_118 = arith.constant 0 : index
    %get3A_119 = vector.load %arg4[%get3A_117, %get3A_118] : memref<4x64xf32, #tpu.memory_space<vmem>>, vector<1x64xf32>
    %get3A_120 = vector.shape_cast %get3A_119 : vector<1x64xf32> to vector<64xf32>
    %broadcast_in_dim3A_121 = vector.shape_cast %get3A_120 : vector<64xf32> to vector<1x64xf32>
    %add3A_122 = vector.broadcast %broadcast_in_dim3A_121 : vector<1x64xf32> to vector<576x64xf32>
    %add3A_123 = arith.addf %mul3A_116, %add3A_122 : vector<576x64xf32>
    %swap3A_124 = arith.constant 0 : index
    %swap3A_125 = arith.constant 0 : index
    %swap3A_126 = arith.constant 64 : index
    %swap3A_127 = vector.load %arg6[%swap3A_124, %swap3A_125, %swap3A_126] : memref<1x576x256xf32, #tpu.memory_space<vmem>>, vector<1x576x64xf32>
    %swap3A_128 = vector.shape_cast %swap3A_127 : vector<1x576x64xf32> to vector<576x64xf32>
    %swap3A_129 = vector.shape_cast %add3A_123 : vector<576x64xf32> to vector<1x576x64xf32>
    tpu.vector_store %arg6[%swap3A_124, %swap3A_125, %swap3A_126], %swap3A_129 {strides = array<i32>} : memref<1x576x256xf32, #tpu.memory_space<vmem>>, vector<1x576x64xf32>,
    %get3A_130 = arith.constant 1 : index
    %get3A_131 = arith.constant 0 : index
    %get3A_132 = arith.constant 0 : index
    %get3A_133 = vector.load %arg5[%get3A_130, %get3A_131, %get3A_132] : memref<4x64x1024xf32, #tpu.memory_space<vmem>>, vector<1x64x1024xf32>
    %get3A_134 = vector.shape_cast %get3A_133 : vector<1x64x1024xf32> to vector<64x1024xf32>
    %dot_general3A_135 = arith.constant dense<0.000000e+00> : vector<576x1024xf32>
    %dot_general3A_136 = tpu.matmul %add3A_123, %get3A_134, %dot_general3A_135 {dimension_numbers = #tpu.dot_dimension_numbers<[1], [0], [0], [1], [0, 0, 1, 1], [], []>, transpose_lhs_hint = false} : vector<576x64xf32>, vector<64x1024xf32>, vector<576x1024xf32> -> vector<576x1024xf32>
    %mul3A_137 = arith.mulf %add3A_123, %add3A_123 : vector<576x64xf32>
    %reduce_sum3A_138 = arith.constant dense<0.000000e+00> : vector<576xf32>
    %reduce_sum3A_139 = vector.multi_reduction <add>, %mul3A_137, %reduce_sum3A_138 [1] : vector<576x64xf32> to vector<576xf32>
    %broadcast_in_dim3A_140 = vector.shape_cast %reduce_sum3A_139 : vector<576xf32> to vector<576x1xf32>
    %get3A_141 = arith.constant 1 : index
    %get3A_142 = arith.constant 0 : index
    %get3A_143 = arith.constant 0 : index
    %get3A_144 = vector.load %arg5[%get3A_141, %get3A_142, %get3A_143] : memref<4x64x1024xf32, #tpu.memory_space<vmem>>, vector<1x64x1024xf32>
    %get3A_145 = vector.shape_cast %get3A_144 : vector<1x64x1024xf32> to vector<64x1024xf32>
    %integer_pow3A_146 = arith.mulf %get3A_145, %get3A_145 : vector<64x1024xf32>
    %reduce_sum3A_147 = arith.constant dense<0.000000e+00> : vector<1024xf32>
    %reduce_sum3A_148 = vector.multi_reduction <add>, %integer_pow3A_146, %reduce_sum3A_147 [0] : vector<64x1024xf32> to vector<1024xf32>
    %broadcast_in_dim3A_149 = vector.shape_cast %reduce_sum3A_148 : vector<1024xf32> to vector<1x1024xf32>
    %add3A_150 = vector.broadcast %broadcast_in_dim3A_140 : vector<576x1xf32> to vector<576x1024xf32>
    %add3A_151 = vector.broadcast %broadcast_in_dim3A_149 : vector<1x1024xf32> to vector<576x1024xf32>
    %add3A_152 = arith.addf %add3A_150, %add3A_151 : vector<576x1024xf32>
    %mul3A_153 = arith.constant 2.000000e+00 : f32
    %mul3A_154 = vector.broadcast %mul3A_153 : f32 to vector<576x1024xf32>
    %mul3A_155 = arith.mulf %mul3A_154, %dot_general3A_136 : vector<576x1024xf32>
    %sub3A_156 = arith.subf %add3A_152, %mul3A_155 : vector<576x1024xf32>
    %argmin3A_157 = tpu.reduce_index %sub3A_156 {axis = 1 : i32, kind = #tpu.reduction_kind<arg_min>} : vector<576x1024xf32> -> vector<576xi32>
    %swap3A_158 = arith.constant 0 : index
    %swap3A_159 = arith.constant 0 : index
    %swap3A_160 = arith.constant 1 : index
    %swap3A_161 = vector.load %arg7[%swap3A_158, %swap3A_159, %swap3A_160] : memref<1x576x4xi32, #tpu.memory_space<vmem>>, vector<1x576x1xi32>
    %swap3A_162 = vector.shape_cast %swap3A_161 : vector<1x576x1xi32> to vector<576xi32>
    %swap3A_163 = vector.shape_cast %argmin3A_157 : vector<576xi32> to vector<1x576x1xi32>
    tpu.vector_store %arg7[%swap3A_158, %swap3A_159, %swap3A_160], %swap3A_163 {strides = array<i32>} : memref<1x576x4xi32, #tpu.memory_space<vmem>>, vector<1x576x1xi32>,
    %slice3A_164 = vector.extract_strided_slice %get3A_3 {offsets = [0, 384], sizes = [576, 192], strides = [1, 1]} : vector<576x768xf32> to vector<576x192xf32>
    %get3A_165 = arith.constant 2 : index
    %get3A_166 = arith.constant 0 : index
    %get3A_167 = arith.constant 0 : index
    %get3A_168 = vector.load %arg2[%get3A_165, %get3A_166, %get3A_167] : memref<4x192x64xf32, #tpu.memory_space<vmem>>, vector<1x192x64xf32>
    %get3A_169 = vector.shape_cast %get3A_168 : vector<1x192x64xf32> to vector<192x64xf32>
    %dot_general3A_170 = arith.constant dense<0.000000e+00> : vector<576x64xf32>
    %dot_general3A_171 = tpu.matmul %slice3A_164, %get3A_169, %dot_general3A_170 {dimension_numbers = #tpu.dot_dimension_numbers<[1], [0], [0], [1], [0, 0, 1, 1], [], []>, transpose_lhs_hint = false} : vector<576x192xf32>, vector<192x64xf32>, vector<576x64xf32> -> vector<576x64xf32>
    %reduce_sum3A_172 = vector.shape_cast %dot_general3A_171 : vector<576x64xf32> to vector<1x576x64xf32>
    %reduce_sum3A_173 = arith.constant dense<0.000000e+00> : vector<1xf32>
    %reduce_sum3A_174 = vector.multi_reduction <add>, %reduce_sum3A_172, %reduce_sum3A_173 [1, 2] : vector<1x576x64xf32> to vector<1xf32>
    %reduce_sum3A_175 = vector.shape_cast %reduce_sum3A_174 : vector<1xf32> to vector<1x1x1xf32>
    %reduce_sum3A_176 = vector.extract %reduce_sum3A_175[0, 0, 0] : f32 from vector<1x1x1xf32>
    %div3A_177 = arith.constant 3.686400e+04 : f32
    %div3A_178 = arith.divf %reduce_sum3A_176, %div3A_177 : f32
    %sub3A_179 = vector.broadcast %div3A_178 : f32 to vector<576x64xf32>
    %sub3A_180 = arith.subf %dot_general3A_171, %sub3A_179 : vector<576x64xf32>
    %integer_pow3A_181 = arith.mulf %sub3A_180, %sub3A_180 : vector<576x64xf32>
    %reduce_sum3A_182 = vector.shape_cast %integer_pow3A_181 : vector<576x64xf32> to vector<1x576x64xf32>
    %reduce_sum3A_183 = arith.constant dense<0.000000e+00> : vector<1xf32>
    %reduce_sum3A_184 = vector.multi_reduction <add>, %reduce_sum3A_182, %reduce_sum3A_183 [1, 2] : vector<1x576x64xf32> to vector<1xf32>
    %reduce_sum3A_185 = vector.shape_cast %reduce_sum3A_184 : vector<1xf32> to vector<1x1x1xf32>
    %reduce_sum3A_186 = vector.extract %reduce_sum3A_185[0, 0, 0] : f32 from vector<1x1x1xf32>
    %div3A_187 = arith.constant 3.686400e+04 : f32
    %div3A_188 = arith.divf %reduce_sum3A_186, %div3A_187 : f32
    %sub3A_189 = vector.broadcast %div3A_178 : f32 to vector<576x64xf32>
    %sub3A_190 = arith.subf %dot_general3A_171, %sub3A_189 : vector<576x64xf32>
    %add3A_191 = arith.constant 9.99999974E-6 : f32
    %add3A_192 = arith.addf %div3A_188, %add3A_191 : f32
    %rsqrt3A_193 = math.rsqrt %add3A_192 : f32
    %mul3A_194 = vector.broadcast %rsqrt3A_193 : f32 to vector<576x64xf32>
    %mul3A_195 = arith.mulf %sub3A_190, %mul3A_194 : vector<576x64xf32>
    %get3A_196 = arith.constant 2 : index
    %get3A_197 = arith.constant 0 : index
    %get3A_198 = vector.load %arg3[%get3A_196, %get3A_197] : memref<4x64xf32, #tpu.memory_space<vmem>>, vector<1x64xf32>
    %get3A_199 = vector.shape_cast %get3A_198 : vector<1x64xf32> to vector<64xf32>
    %broadcast_in_dim3A_200 = vector.shape_cast %get3A_199 : vector<64xf32> to vector<1x64xf32>
    %mul3A_201 = vector.broadcast %broadcast_in_dim3A_200 : vector<1x64xf32> to vector<576x64xf32>
    %mul3A_202 = arith.mulf %mul3A_195, %mul3A_201 : vector<576x64xf32>
    %get3A_203 = arith.constant 2 : index
    %get3A_204 = arith.constant 0 : index
    %get3A_205 = vector.load %arg4[%get3A_203, %get3A_204] : memref<4x64xf32, #tpu.memory_space<vmem>>, vector<1x64xf32>
    %get3A_206 = vector.shape_cast %get3A_205 : vector<1x64xf32> to vector<64xf32>
    %broadcast_in_dim3A_207 = vector.shape_cast %get3A_206 : vector<64xf32> to vector<1x64xf32>
    %add3A_208 = vector.broadcast %broadcast_in_dim3A_207 : vector<1x64xf32> to vector<576x64xf32>
    %add3A_209 = arith.addf %mul3A_202, %add3A_208 : vector<576x64xf32>
    %swap3A_210 = arith.constant 0 : index
    %swap3A_211 = arith.constant 0 : index
    %swap3A_212 = arith.constant 128 : index
    %swap3A_213 = vector.load %arg6[%swap3A_210, %swap3A_211, %swap3A_212] : memref<1x576x256xf32, #tpu.memory_space<vmem>>, vector<1x576x64xf32>
    %swap3A_214 = vector.shape_cast %swap3A_213 : vector<1x576x64xf32> to vector<576x64xf32>
    %swap3A_215 = vector.shape_cast %add3A_209 : vector<576x64xf32> to vector<1x576x64xf32>
    tpu.vector_store %arg6[%swap3A_210, %swap3A_211, %swap3A_212], %swap3A_215 {strides = array<i32>} : memref<1x576x256xf32, #tpu.memory_space<vmem>>, vector<1x576x64xf32>,
    %get3A_216 = arith.constant 2 : index
    %get3A_217 = arith.constant 0 : index
    %get3A_218 = arith.constant 0 : index
    %get3A_219 = vector.load %arg5[%get3A_216, %get3A_217, %get3A_218] : memref<4x64x1024xf32, #tpu.memory_space<vmem>>, vector<1x64x1024xf32>
    %get3A_220 = vector.shape_cast %get3A_219 : vector<1x64x1024xf32> to vector<64x1024xf32>
    %dot_general3A_221 = arith.constant dense<0.000000e+00> : vector<576x1024xf32>
    %dot_general3A_222 = tpu.matmul %add3A_209, %get3A_220, %dot_general3A_221 {dimension_numbers = #tpu.dot_dimension_numbers<[1], [0], [0], [1], [0, 0, 1, 1], [], []>, transpose_lhs_hint = false} : vector<576x64xf32>, vector<64x1024xf32>, vector<576x1024xf32> -> vector<576x1024xf32>
    %mul3A_223 = arith.mulf %add3A_209, %add3A_209 : vector<576x64xf32>
    %reduce_sum3A_224 = arith.constant dense<0.000000e+00> : vector<576xf32>
    %reduce_sum3A_225 = vector.multi_reduction <add>, %mul3A_223, %reduce_sum3A_224 [1] : vector<576x64xf32> to vector<576xf32>
    %broadcast_in_dim3A_226 = vector.shape_cast %reduce_sum3A_225 : vector<576xf32> to vector<576x1xf32>
    %get3A_227 = arith.constant 2 : index
    %get3A_228 = arith.constant 0 : index
    %get3A_229 = arith.constant 0 : index
    %get3A_230 = vector.load %arg5[%get3A_227, %get3A_228, %get3A_229] : memref<4x64x1024xf32, #tpu.memory_space<vmem>>, vector<1x64x1024xf32>
    %get3A_231 = vector.shape_cast %get3A_230 : vector<1x64x1024xf32> to vector<64x1024xf32>
    %integer_pow3A_232 = arith.mulf %get3A_231, %get3A_231 : vector<64x1024xf32>
    %reduce_sum3A_233 = arith.constant dense<0.000000e+00> : vector<1024xf32>
    %reduce_sum3A_234 = vector.multi_reduction <add>, %integer_pow3A_232, %reduce_sum3A_233 [0] : vector<64x1024xf32> to vector<1024xf32>
    %broadcast_in_dim3A_235 = vector.shape_cast %reduce_sum3A_234 : vector<1024xf32> to vector<1x1024xf32>
    %add3A_236 = vector.broadcast %broadcast_in_dim3A_226 : vector<576x1xf32> to vector<576x1024xf32>
    %add3A_237 = vector.broadcast %broadcast_in_dim3A_235 : vector<1x1024xf32> to vector<576x1024xf32>
    %add3A_238 = arith.addf %add3A_236, %add3A_237 : vector<576x1024xf32>
    %mul3A_239 = arith.constant 2.000000e+00 : f32
    %mul3A_240 = vector.broadcast %mul3A_239 : f32 to vector<576x1024xf32>
    %mul3A_241 = arith.mulf %mul3A_240, %dot_general3A_222 : vector<576x1024xf32>
    %sub3A_242 = arith.subf %add3A_238, %mul3A_241 : vector<576x1024xf32>
    %argmin3A_243 = tpu.reduce_index %sub3A_242 {axis = 1 : i32, kind = #tpu.reduction_kind<arg_min>} : vector<576x1024xf32> -> vector<576xi32>
    %swap3A_244 = arith.constant 0 : index
    %swap3A_245 = arith.constant 0 : index
    %swap3A_246 = arith.constant 2 : index
    %swap3A_247 = vector.load %arg7[%swap3A_244, %swap3A_245, %swap3A_246] : memref<1x576x4xi32, #tpu.memory_space<vmem>>, vector<1x576x1xi32>
    %swap3A_248 = vector.shape_cast %swap3A_247 : vector<1x576x1xi32> to vector<576xi32>
    %swap3A_249 = vector.shape_cast %argmin3A_243 : vector<576xi32> to vector<1x576x1xi32>
    tpu.vector_store %arg7[%swap3A_244, %swap3A_245, %swap3A_246], %swap3A_249 {strides = array<i32>} : memref<1x576x4xi32, #tpu.memory_space<vmem>>, vector<1x576x1xi32>,
    %slice3A_250 = vector.extract_strided_slice %get3A_3 {offsets = [0, 576], sizes = [576, 192], strides = [1, 1]} : vector<576x768xf32> to vector<576x192xf32>
    %get3A_251 = arith.constant 3 : index
    %get3A_252 = arith.constant 0 : index
    %get3A_253 = arith.constant 0 : index
    %get3A_254 = vector.load %arg2[%get3A_251, %get3A_252, %get3A_253] : memref<4x192x64xf32, #tpu.memory_space<vmem>>, vector<1x192x64xf32>
    %get3A_255 = vector.shape_cast %get3A_254 : vector<1x192x64xf32> to vector<192x64xf32>
    %dot_general3A_256 = arith.constant dense<0.000000e+00> : vector<576x64xf32>
    %dot_general3A_257 = tpu.matmul %slice3A_250, %get3A_255, %dot_general3A_256 {dimension_numbers = #tpu.dot_dimension_numbers<[1], [0], [0], [1], [0, 0, 1, 1], [], []>, transpose_lhs_hint = false} : vector<576x192xf32>, vector<192x64xf32>, vector<576x64xf32> -> vector<576x64xf32>
    %reduce_sum3A_258 = vector.shape_cast %dot_general3A_257 : vector<576x64xf32> to vector<1x576x64xf32>
    %reduce_sum3A_259 = arith.constant dense<0.000000e+00> : vector<1xf32>
    %reduce_sum3A_260 = vector.multi_reduction <add>, %reduce_sum3A_258, %reduce_sum3A_259 [1, 2] : vector<1x576x64xf32> to vector<1xf32>
    %reduce_sum3A_261 = vector.shape_cast %reduce_sum3A_260 : vector<1xf32> to vector<1x1x1xf32>
    %reduce_sum3A_262 = vector.extract %reduce_sum3A_261[0, 0, 0] : f32 from vector<1x1x1xf32>
    %div3A_263 = arith.constant 3.686400e+04 : f32
    %div3A_264 = arith.divf %reduce_sum3A_262, %div3A_263 : f32
    %sub3A_265 = vector.broadcast %div3A_264 : f32 to vector<576x64xf32>
    %sub3A_266 = arith.subf %dot_general3A_257, %sub3A_265 : vector<576x64xf32>
    %integer_pow3A_267 = arith.mulf %sub3A_266, %sub3A_266 : vector<576x64xf32>
    %reduce_sum3A_268 = vector.shape_cast %integer_pow3A_267 : vector<576x64xf32> to vector<1x576x64xf32>
    %reduce_sum3A_269 = arith.constant dense<0.000000e+00> : vector<1xf32>
    %reduce_sum3A_270 = vector.multi_reduction <add>, %reduce_sum3A_268, %reduce_sum3A_269 [1, 2] : vector<1x576x64xf32> to vector<1xf32>
    %reduce_sum3A_271 = vector.shape_cast %reduce_sum3A_270 : vector<1xf32> to vector<1x1x1xf32>
    %reduce_sum3A_272 = vector.extract %reduce_sum3A_271[0, 0, 0] : f32 from vector<1x1x1xf32>
    %div3A_273 = arith.constant 3.686400e+04 : f32
    %div3A_274 = arith.divf %reduce_sum3A_272, %div3A_273 : f32
    %sub3A_275 = vector.broadcast %div3A_264 : f32 to vector<576x64xf32>
    %sub3A_276 = arith.subf %dot_general3A_257, %sub3A_275 : vector<576x64xf32>
    %add3A_277 = arith.constant 9.99999974E-6 : f32
    %add3A_278 = arith.addf %div3A_274, %add3A_277 : f32
    %rsqrt3A_279 = math.rsqrt %add3A_278 : f32
    %mul3A_280 = vector.broadcast %rsqrt3A_279 : f32 to vector<576x64xf32>
    %mul3A_281 = arith.mulf %sub3A_276, %mul3A_280 : vector<576x64xf32>
    %get3A_282 = arith.constant 3 : index
    %get3A_283 = arith.constant 0 : index
    %get3A_284 = vector.load %arg3[%get3A_282, %get3A_283] : memref<4x64xf32, #tpu.memory_space<vmem>>, vector<1x64xf32>
    %get3A_285 = vector.shape_cast %get3A_284 : vector<1x64xf32> to vector<64xf32>
    %broadcast_in_dim3A_286 = vector.shape_cast %get3A_285 : vector<64xf32> to vector<1x64xf32>
    %mul3A_287 = vector.broadcast %broadcast_in_dim3A_286 : vector<1x64xf32> to vector<576x64xf32>
    %mul3A_288 = arith.mulf %mul3A_281, %mul3A_287 : vector<576x64xf32>
    %get3A_289 = arith.constant 3 : index
    %get3A_290 = arith.constant 0 : index
    %get3A_291 = vector.load %arg4[%get3A_289, %get3A_290] : memref<4x64xf32, #tpu.memory_space<vmem>>, vector<1x64xf32>
    %get3A_292 = vector.shape_cast %get3A_291 : vector<1x64xf32> to vector<64xf32>
    %broadcast_in_dim3A_293 = vector.shape_cast %get3A_292 : vector<64xf32> to vector<1x64xf32>
    %add3A_294 = vector.broadcast %broadcast_in_dim3A_293 : vector<1x64xf32> to vector<576x64xf32>
    %add3A_295 = arith.addf %mul3A_288, %add3A_294 : vector<576x64xf32>
    %swap3A_296 = arith.constant 0 : index
    %swap3A_297 = arith.constant 0 : index
    %swap3A_298 = arith.constant 192 : index
    %swap3A_299 = vector.load %arg6[%swap3A_296, %swap3A_297, %swap3A_298] : memref<1x576x256xf32, #tpu.memory_space<vmem>>, vector<1x576x64xf32>
    %swap3A_300 = vector.shape_cast %swap3A_299 : vector<1x576x64xf32> to vector<576x64xf32>
    %swap3A_301 = vector.shape_cast %add3A_295 : vector<576x64xf32> to vector<1x576x64xf32>
    tpu.vector_store %arg6[%swap3A_296, %swap3A_297, %swap3A_298], %swap3A_301 {strides = array<i32>} : memref<1x576x256xf32, #tpu.memory_space<vmem>>, vector<1x576x64xf32>,
    %get3A_302 = arith.constant 3 : index
    %get3A_303 = arith.constant 0 : index
    %get3A_304 = arith.constant 0 : index
    %get3A_305 = vector.load %arg5[%get3A_302, %get3A_303, %get3A_304] : memref<4x64x1024xf32, #tpu.memory_space<vmem>>, vector<1x64x1024xf32>
    %get3A_306 = vector.shape_cast %get3A_305 : vector<1x64x1024xf32> to vector<64x1024xf32>
    %dot_general3A_307 = arith.constant dense<0.000000e+00> : vector<576x1024xf32>
    %dot_general3A_308 = tpu.matmul %add3A_295, %get3A_306, %dot_general3A_307 {dimension_numbers = #tpu.dot_dimension_numbers<[1], [0], [0], [1], [0, 0, 1, 1], [], []>, transpose_lhs_hint = false} : vector<576x64xf32>, vector<64x1024xf32>, vector<576x1024xf32> -> vector<576x1024xf32>
    %mul3A_309 = arith.mulf %add3A_295, %add3A_295 : vector<576x64xf32>
    %reduce_sum3A_310 = arith.constant dense<0.000000e+00> : vector<576xf32>
    %reduce_sum3A_311 = vector.multi_reduction <add>, %mul3A_309, %reduce_sum3A_310 [1] : vector<576x64xf32> to vector<576xf32>
    %broadcast_in_dim3A_312 = vector.shape_cast %reduce_sum3A_311 : vector<576xf32> to vector<576x1xf32>
    %get3A_313 = arith.constant 3 : index
    %get3A_314 = arith.constant 0 : index
    %get3A_315 = arith.constant 0 : index
    %get3A_316 = vector.load %arg5[%get3A_313, %get3A_314, %get3A_315] : memref<4x64x1024xf32, #tpu.memory_space<vmem>>, vector<1x64x1024xf32>
    %get3A_317 = vector.shape_cast %get3A_316 : vector<1x64x1024xf32> to vector<64x1024xf32>
    %integer_pow3A_318 = arith.mulf %get3A_317, %get3A_317 : vector<64x1024xf32>
    %reduce_sum3A_319 = arith.constant dense<0.000000e+00> : vector<1024xf32>
    %reduce_sum3A_320 = vector.multi_reduction <add>, %integer_pow3A_318, %reduce_sum3A_319 [0] : vector<64x1024xf32> to vector<1024xf32>
    %broadcast_in_dim3A_321 = vector.shape_cast %reduce_sum3A_320 : vector<1024xf32> to vector<1x1024xf32>
    %add3A_322 = vector.broadcast %broadcast_in_dim3A_312 : vector<576x1xf32> to vector<576x1024xf32>
    %add3A_323 = vector.broadcast %broadcast_in_dim3A_321 : vector<1x1024xf32> to vector<576x1024xf32>
    %add3A_324 = arith.addf %add3A_322, %add3A_323 : vector<576x1024xf32>
    %mul3A_325 = arith.constant 2.000000e+00 : f32
    %mul3A_326 = vector.broadcast %mul3A_325 : f32 to vector<576x1024xf32>
    %mul3A_327 = arith.mulf %mul3A_326, %dot_general3A_308 : vector<576x1024xf32>
    %sub3A_328 = arith.subf %add3A_324, %mul3A_327 : vector<576x1024xf32>
    %argmin3A_329 = tpu.reduce_index %sub3A_328 {axis = 1 : i32, kind = #tpu.reduction_kind<arg_min>} : vector<576x1024xf32> -> vector<576xi32>
    %swap3A_330 = arith.constant 0 : index
    %swap3A_331 = arith.constant 0 : index
    %swap3A_332 = arith.constant 3 : index
    %swap3A_333 = vector.load %arg7[%swap3A_330, %swap3A_331, %swap3A_332] : memref<1x576x4xi32, #tpu.memory_space<vmem>>, vector<1x576x1xi32>
    %swap3A_334 = vector.shape_cast %swap3A_333 : vector<1x576x1xi32> to vector<576xi32>
    %swap3A_335 = vector.shape_cast %argmin3A_329 : vector<576xi32> to vector<1x576x1xi32>
    tpu.vector_store %arg7[%swap3A_330, %swap3A_331, %swap3A_332], %swap3A_335 {strides = array<i32>} : memref<1x576x4xi32, #tpu.memory_space<vmem>>, vector<1x576x1xi32>,
    return
  }
  func.func @transform_0(%arg0: i32) -> (i32, i32, i32) {
    %c0_i32 = arith.constant 0 : i32
    %c0_i32_0 = arith.constant 0 : i32
    %c0_i32_1 = arith.constant 0 : i32
    return %arg0, %c0_i32, %c0_i32_0 : i32, i32, i32
  }
  func.func @transform_1(%arg0: i32) -> (i32, i32, i32) {
    %c0_i32 = arith.constant 0 : i32
    %c0_i32_0 = arith.constant 0 : i32
    %c0_i32_1 = arith.constant 0 : i32
    %c0_i32_2 = arith.constant 0 : i32
    return %c0_i32, %c0_i32_0, %c0_i32_1 : i32, i32, i32
  }
  func.func @transform_2(%arg0: i32) -> (i32, i32) {
    %c0_i32 = arith.constant 0 : i32
    %c0_i32_0 = arith.constant 0 : i32
    %c0_i32_1 = arith.constant 0 : i32
    return %c0_i32, %c0_i32_0 : i32, i32
  }
  func.func @transform_3(%arg0: i32) -> (i32, i32) {
    %c0_i32 = arith.constant 0 : i32
    %c0_i32_0 = arith.constant 0 : i32
    %c0_i32_1 = arith.constant 0 : i32
    return %c0_i32, %c0_i32_0 : i32, i32
  }
  func.func @transform_4(%arg0: i32) -> (i32, i32, i32) {
    %c0_i32 = arith.constant 0 : i32
    %c0_i32_0 = arith.constant 0 : i32
    %c0_i32_1 = arith.constant 0 : i32
    %c0_i32_2 = arith.constant 0 : i32
    return %c0_i32, %c0_i32_0, %c0_i32_1 : i32, i32, i32
  }
  func.func @transform_5(%arg0: i32) -> (i32, i32, i32) {
    %c0_i32 = arith.constant 0 : i32
    %c0_i32_0 = arith.constant 0 : i32
    %c0_i32_1 = arith.constant 0 : i32
    return %arg0, %c0_i32, %c0_i32_0 : i32, i32, i32
  }
  func.func @transform_6(%arg0: i32) -> (i32, i32, i32) {
    %c0_i32 = arith.constant 0 : i32
    %c0_i32_0 = arith.constant 0 : i32
    %c0_i32_1 = arith.constant 0 : i32
    return %arg0, %c0_i32, %c0_i32_0 : i32, i32, i32
  }
}

module attributes {stable_mosaic.version = 14 : i64} {
  func.func @_stage3(%arg0: i32, %arg1: memref<1x576x256xf32, #tpu.memory_space<vmem>>, %arg2: memref<1x576x4xi32, #tpu.memory_space<vmem>>, %arg3: memref<4x1024x64xf32, #tpu.memory_space<vmem>>, %arg4: memref<1x256xf32, #tpu.memory_space<vmem>>, %arg5: memref<1x256xf32, #tpu.memory_space<vmem>>, %arg6: memref<256x768xf32, #tpu.memory_space<vmem>>, %arg7: memref<1x768xf32, #tpu.memory_space<vmem>>, %arg8: memref<1x576x768xf32, #tpu.memory_space<vmem>>, %arg9: memref<1x1xf32, #tpu.memory_space<vmem>>) attributes {dimension_semantics = [#tpu.dimension_semantics<arbitrary>], iteration_bounds = array<i64: 8>, scalar_prefetch = 0 : i64, scratch_operands = 0 : i64, tpu.core_type = #tpu.core_type<tc>, window_params = [{transform_indices = @transform_0, window_bounds = array<i64: 1, 576, 256>}, {transform_indices = @transform_1, window_bounds = array<i64: 1, 576, 4>}, {pipeline_mode = #tpu.pipeline_mode<synchronous>, transform_indices = @transform_2, window_bounds = array<i64: 4, 1024, 64>}, {pipeline_mode = #tpu.pipeline_mode<synchronous>, transform_indices = @transform_3, window_bounds = array<i64: 1, 256>}, {pipeline_mode = #tpu.pipeline_mode<synchronous>, transform_indices = @transform_4, window_bounds = array<i64: 1, 256>}, {pipeline_mode = #tpu.pipeline_mode<synchronous>, transform_indices = @transform_5, window_bounds = array<i64: 256, 768>}, {pipeline_mode = #tpu.pipeline_mode<synchronous>, transform_indices = @transform_6, window_bounds = array<i64: 1, 768>}, {transform_indices = @transform_7, window_bounds = array<i64: 1, 576, 768>}, {pipeline_mode = #tpu.pipeline_mode<synchronous>, transform_indices = @transform_8, window_bounds = array<i64: 1, 1>}]} {
    %iota3A = tpu.iota {dimensions = array<i32: 1>} : vector<576x1024xi32>
    %get3A = arith.constant 0 : index
    %get3A_0 = arith.constant 0 : index
    %get3A_1 = arith.constant 0 : index
    %get3A_2 = vector.load %arg2[%get3A, %get3A_0, %get3A_1] : memref<1x576x4xi32, #tpu.memory_space<vmem>>, vector<1x576x1xi32>
    %get3A_3 = vector.shape_cast %get3A_2 : vector<1x576x1xi32> to vector<576xi32>
    %reshape3A = vector.shape_cast %get3A_3 : vector<576xi32> to vector<576x1xi32>
    %eq3A = vector.broadcast %reshape3A : vector<576x1xi32> to vector<576x1024xi32>
    %eq3A_4 = arith.cmpi eq, %iota3A, %eq3A : vector<576x1024xi32>
    %convert_element_type3A = arith.extui %eq3A_4 : vector<576x1024xi1> to vector<576x1024xi32>
    %convert_element_type3A_5 = arith.sitofp %convert_element_type3A : vector<576x1024xi32> to vector<576x1024xf32>
    %get3A_6 = arith.constant 0 : index
    %get3A_7 = arith.constant 0 : index
    %get3A_8 = arith.constant 0 : index
    %get3A_9 = vector.load %arg3[%get3A_6, %get3A_7, %get3A_8] : memref<4x1024x64xf32, #tpu.memory_space<vmem>>, vector<1x1024x64xf32>
    %get3A_10 = vector.shape_cast %get3A_9 : vector<1x1024x64xf32> to vector<1024x64xf32>
    %dot_general3A = arith.constant dense<0.000000e+00> : vector<576x64xf32>
    %dot_general3A_11 = tpu.matmul %convert_element_type3A_5, %get3A_10, %dot_general3A {dimension_numbers = #tpu.dot_dimension_numbers<[1], [0], [0], [1], [0, 0, 1, 1], [], []>, transpose_lhs_hint = false} : vector<576x1024xf32>, vector<1024x64xf32>, vector<576x64xf32> -> vector<576x64xf32>
    %get3A_12 = arith.constant 0 : index
    %get3A_13 = arith.constant 0 : index
    %get3A_14 = arith.constant 0 : index
    %get3A_15 = vector.load %arg1[%get3A_12, %get3A_13, %get3A_14] : memref<1x576x256xf32, #tpu.memory_space<vmem>>, vector<1x576x64xf32>
    %get3A_16 = vector.shape_cast %get3A_15 : vector<1x576x64xf32> to vector<576x64xf32>
    %sub3A = arith.subf %get3A_16, %dot_general3A_11 : vector<576x64xf32>
    %mul3A = arith.mulf %sub3A, %sub3A : vector<576x64xf32>
    %reduce_sum3A = vector.shape_cast %mul3A : vector<576x64xf32> to vector<1x576x64xf32>
    %reduce_sum3A_17 = arith.constant dense<0.000000e+00> : vector<1xf32>
    %reduce_sum3A_18 = vector.multi_reduction <add>, %reduce_sum3A, %reduce_sum3A_17 [1, 2] : vector<1x576x64xf32> to vector<1xf32>
    %reduce_sum3A_19 = vector.shape_cast %reduce_sum3A_18 : vector<1xf32> to vector<1x1x1xf32>
    %reduce_sum3A_20 = vector.extract %reduce_sum3A_19[0, 0, 0] : f32 from vector<1x1x1xf32>
    %add3A = arith.constant 0.000000e+00 : f32
    %add3A_21 = arith.addf %add3A, %reduce_sum3A_20 : f32
    %get3A_22 = arith.constant 0 : index
    %get3A_23 = arith.constant 0 : index
    %get3A_24 = arith.constant 1 : index
    %get3A_25 = vector.load %arg2[%get3A_22, %get3A_23, %get3A_24] : memref<1x576x4xi32, #tpu.memory_space<vmem>>, vector<1x576x1xi32>
    %get3A_26 = vector.shape_cast %get3A_25 : vector<1x576x1xi32> to vector<576xi32>
    %reshape3A_27 = vector.shape_cast %get3A_26 : vector<576xi32> to vector<576x1xi32>
    %eq3A_28 = vector.broadcast %reshape3A_27 : vector<576x1xi32> to vector<576x1024xi32>
    %eq3A_29 = arith.cmpi eq, %iota3A, %eq3A_28 : vector<576x1024xi32>
    %convert_element_type3A_30 = arith.extui %eq3A_29 : vector<576x1024xi1> to vector<576x1024xi32>
    %convert_element_type3A_31 = arith.sitofp %convert_element_type3A_30 : vector<576x1024xi32> to vector<576x1024xf32>
    %get3A_32 = arith.constant 1 : index
    %get3A_33 = arith.constant 0 : index
    %get3A_34 = arith.constant 0 : index
    %get3A_35 = vector.load %arg3[%get3A_32, %get3A_33, %get3A_34] : memref<4x1024x64xf32, #tpu.memory_space<vmem>>, vector<1x1024x64xf32>
    %get3A_36 = vector.shape_cast %get3A_35 : vector<1x1024x64xf32> to vector<1024x64xf32>
    %dot_general3A_37 = arith.constant dense<0.000000e+00> : vector<576x64xf32>
    %dot_general3A_38 = tpu.matmul %convert_element_type3A_31, %get3A_36, %dot_general3A_37 {dimension_numbers = #tpu.dot_dimension_numbers<[1], [0], [0], [1], [0, 0, 1, 1], [], []>, transpose_lhs_hint = false} : vector<576x1024xf32>, vector<1024x64xf32>, vector<576x64xf32> -> vector<576x64xf32>
    %get3A_39 = arith.constant 0 : index
    %get3A_40 = arith.constant 0 : index
    %get3A_41 = arith.constant 64 : index
    %get3A_42 = vector.load %arg1[%get3A_39, %get3A_40, %get3A_41] : memref<1x576x256xf32, #tpu.memory_space<vmem>>, vector<1x576x64xf32>
    %get3A_43 = vector.shape_cast %get3A_42 : vector<1x576x64xf32> to vector<576x64xf32>
    %sub3A_44 = arith.subf %get3A_43, %dot_general3A_38 : vector<576x64xf32>
    %mul3A_45 = arith.mulf %sub3A_44, %sub3A_44 : vector<576x64xf32>
    %reduce_sum3A_46 = vector.shape_cast %mul3A_45 : vector<576x64xf32> to vector<1x576x64xf32>
    %reduce_sum3A_47 = arith.constant dense<0.000000e+00> : vector<1xf32>
    %reduce_sum3A_48 = vector.multi_reduction <add>, %reduce_sum3A_46, %reduce_sum3A_47 [1, 2] : vector<1x576x64xf32> to vector<1xf32>
    %reduce_sum3A_49 = vector.shape_cast %reduce_sum3A_48 : vector<1xf32> to vector<1x1x1xf32>
    %reduce_sum3A_50 = vector.extract %reduce_sum3A_49[0, 0, 0] : f32 from vector<1x1x1xf32>
    %add3A_51 = arith.addf %add3A_21, %reduce_sum3A_50 : f32
    %get3A_52 = arith.constant 0 : index
    %get3A_53 = arith.constant 0 : index
    %get3A_54 = arith.constant 2 : index
    %get3A_55 = vector.load %arg2[%get3A_52, %get3A_53, %get3A_54] : memref<1x576x4xi32, #tpu.memory_space<vmem>>, vector<1x576x1xi32>
    %get3A_56 = vector.shape_cast %get3A_55 : vector<1x576x1xi32> to vector<576xi32>
    %reshape3A_57 = vector.shape_cast %get3A_56 : vector<576xi32> to vector<576x1xi32>
    %eq3A_58 = vector.broadcast %reshape3A_57 : vector<576x1xi32> to vector<576x1024xi32>
    %eq3A_59 = arith.cmpi eq, %iota3A, %eq3A_58 : vector<576x1024xi32>
    %convert_element_type3A_60 = arith.extui %eq3A_59 : vector<576x1024xi1> to vector<576x1024xi32>
    %convert_element_type3A_61 = arith.sitofp %convert_element_type3A_60 : vector<576x1024xi32> to vector<576x1024xf32>
    %get3A_62 = arith.constant 2 : index
    %get3A_63 = arith.constant 0 : index
    %get3A_64 = arith.constant 0 : index
    %get3A_65 = vector.load %arg3[%get3A_62, %get3A_63, %get3A_64] : memref<4x1024x64xf32, #tpu.memory_space<vmem>>, vector<1x1024x64xf32>
    %get3A_66 = vector.shape_cast %get3A_65 : vector<1x1024x64xf32> to vector<1024x64xf32>
    %dot_general3A_67 = arith.constant dense<0.000000e+00> : vector<576x64xf32>
    %dot_general3A_68 = tpu.matmul %convert_element_type3A_61, %get3A_66, %dot_general3A_67 {dimension_numbers = #tpu.dot_dimension_numbers<[1], [0], [0], [1], [0, 0, 1, 1], [], []>, transpose_lhs_hint = false} : vector<576x1024xf32>, vector<1024x64xf32>, vector<576x64xf32> -> vector<576x64xf32>
    %get3A_69 = arith.constant 0 : index
    %get3A_70 = arith.constant 0 : index
    %get3A_71 = arith.constant 128 : index
    %get3A_72 = vector.load %arg1[%get3A_69, %get3A_70, %get3A_71] : memref<1x576x256xf32, #tpu.memory_space<vmem>>, vector<1x576x64xf32>
    %get3A_73 = vector.shape_cast %get3A_72 : vector<1x576x64xf32> to vector<576x64xf32>
    %sub3A_74 = arith.subf %get3A_73, %dot_general3A_68 : vector<576x64xf32>
    %mul3A_75 = arith.mulf %sub3A_74, %sub3A_74 : vector<576x64xf32>
    %reduce_sum3A_76 = vector.shape_cast %mul3A_75 : vector<576x64xf32> to vector<1x576x64xf32>
    %reduce_sum3A_77 = arith.constant dense<0.000000e+00> : vector<1xf32>
    %reduce_sum3A_78 = vector.multi_reduction <add>, %reduce_sum3A_76, %reduce_sum3A_77 [1, 2] : vector<1x576x64xf32> to vector<1xf32>
    %reduce_sum3A_79 = vector.shape_cast %reduce_sum3A_78 : vector<1xf32> to vector<1x1x1xf32>
    %reduce_sum3A_80 = vector.extract %reduce_sum3A_79[0, 0, 0] : f32 from vector<1x1x1xf32>
    %add3A_81 = arith.addf %add3A_51, %reduce_sum3A_80 : f32
    %get3A_82 = arith.constant 0 : index
    %get3A_83 = arith.constant 0 : index
    %get3A_84 = arith.constant 3 : index
    %get3A_85 = vector.load %arg2[%get3A_82, %get3A_83, %get3A_84] : memref<1x576x4xi32, #tpu.memory_space<vmem>>, vector<1x576x1xi32>
    %get3A_86 = vector.shape_cast %get3A_85 : vector<1x576x1xi32> to vector<576xi32>
    %reshape3A_87 = vector.shape_cast %get3A_86 : vector<576xi32> to vector<576x1xi32>
    %eq3A_88 = vector.broadcast %reshape3A_87 : vector<576x1xi32> to vector<576x1024xi32>
    %eq3A_89 = arith.cmpi eq, %iota3A, %eq3A_88 : vector<576x1024xi32>
    %convert_element_type3A_90 = arith.extui %eq3A_89 : vector<576x1024xi1> to vector<576x1024xi32>
    %convert_element_type3A_91 = arith.sitofp %convert_element_type3A_90 : vector<576x1024xi32> to vector<576x1024xf32>
    %get3A_92 = arith.constant 3 : index
    %get3A_93 = arith.constant 0 : index
    %get3A_94 = arith.constant 0 : index
    %get3A_95 = vector.load %arg3[%get3A_92, %get3A_93, %get3A_94] : memref<4x1024x64xf32, #tpu.memory_space<vmem>>, vector<1x1024x64xf32>
    %get3A_96 = vector.shape_cast %get3A_95 : vector<1x1024x64xf32> to vector<1024x64xf32>
    %dot_general3A_97 = arith.constant dense<0.000000e+00> : vector<576x64xf32>
    %dot_general3A_98 = tpu.matmul %convert_element_type3A_91, %get3A_96, %dot_general3A_97 {dimension_numbers = #tpu.dot_dimension_numbers<[1], [0], [0], [1], [0, 0, 1, 1], [], []>, transpose_lhs_hint = false} : vector<576x1024xf32>, vector<1024x64xf32>, vector<576x64xf32> -> vector<576x64xf32>
    %get3A_99 = arith.constant 0 : index
    %get3A_100 = arith.constant 0 : index
    %get3A_101 = arith.constant 192 : index
    %get3A_102 = vector.load %arg1[%get3A_99, %get3A_100, %get3A_101] : memref<1x576x256xf32, #tpu.memory_space<vmem>>, vector<1x576x64xf32>
    %get3A_103 = vector.shape_cast %get3A_102 : vector<1x576x64xf32> to vector<576x64xf32>
    %sub3A_104 = arith.subf %get3A_103, %dot_general3A_98 : vector<576x64xf32>
    %mul3A_105 = arith.mulf %sub3A_104, %sub3A_104 : vector<576x64xf32>
    %reduce_sum3A_106 = vector.shape_cast %mul3A_105 : vector<576x64xf32> to vector<1x576x64xf32>
    %reduce_sum3A_107 = arith.constant dense<0.000000e+00> : vector<1xf32>
    %reduce_sum3A_108 = vector.multi_reduction <add>, %reduce_sum3A_106, %reduce_sum3A_107 [1, 2] : vector<1x576x64xf32> to vector<1xf32>
    %reduce_sum3A_109 = vector.shape_cast %reduce_sum3A_108 : vector<1xf32> to vector<1x1x1xf32>
    %reduce_sum3A_110 = vector.extract %reduce_sum3A_109[0, 0, 0] : f32 from vector<1x1x1xf32>
    %add3A_111 = arith.addf %add3A_81, %reduce_sum3A_110 : f32
    %eq3A_112 = arith.constant 0 : i32
    %eq3A_113 = arith.cmpi eq, %arg0, %eq3A_112 : i32
    %convert_element_type3A_114 = arith.extui %eq3A_113 : i1 to i32
    %cond3A = arith.constant 0 : i32
    %cond3A_115 = arith.cmpi ne, %convert_element_type3A_114, %cond3A : i32
    scf.if %cond3A_115 {
      %broadcast_in_dim3A_177 = arith.constant 0.000000e+00 : f32
      %broadcast_in_dim3A_178 = vector.broadcast %broadcast_in_dim3A_177 : f32 to vector<1x1xf32>
      %swap3A_179 = arith.constant 0 : index
      %swap3A_180 = arith.constant 0 : index
      %swap3A_181 = vector.load %arg9[%swap3A_179, %swap3A_180] : memref<1x1xf32, #tpu.memory_space<vmem>>, vector<1x1xf32>
      tpu.vector_store %arg9[%swap3A_179, %swap3A_180], %broadcast_in_dim3A_178 {strides = array<i32>} : memref<1x1xf32, #tpu.memory_space<vmem>>, vector<1x1xf32>,
    } else {
    }
    %get3A_116 = arith.constant 0 : index
    %get3A_117 = arith.constant 0 : index
    %get3A_118 = vector.load %arg9[%get3A_116, %get3A_117] : memref<1x1xf32, #tpu.memory_space<vmem>>, vector<1x1xf32>
    %reshape3A_119 = vector.broadcast %add3A_111 : f32 to vector<1x1xf32>
    %mul3A_120 = arith.constant 1.05963818E-6 : f32
    %mul3A_121 = vector.broadcast %mul3A_120 : f32 to vector<1x1xf32>
    %mul3A_122 = arith.mulf %reshape3A_119, %mul3A_121 : vector<1x1xf32>
    %add3A_123 = arith.addf %get3A_118, %mul3A_122 : vector<1x1xf32>
    %swap3A = arith.constant 0 : index
    %swap3A_124 = arith.constant 0 : index
    %swap3A_125 = vector.load %arg9[%swap3A, %swap3A_124] : memref<1x1xf32, #tpu.memory_space<vmem>>, vector<1x1xf32>
    tpu.vector_store %arg9[%swap3A, %swap3A_124], %add3A_123 {strides = array<i32>} : memref<1x1xf32, #tpu.memory_space<vmem>>, vector<1x1xf32>,
    %concatenate3A = tpu.concatenate %dot_general3A_11, %dot_general3A_38, %dot_general3A_68, %dot_general3A_98 in 1 : vector<576x64xf32>, vector<576x64xf32>, vector<576x64xf32>, vector<576x64xf32> -> vector<576x256xf32>
    %reduce_sum3A_126 = arith.constant dense<0.000000e+00> : vector<576xf32>
    %reduce_sum3A_127 = vector.multi_reduction <add>, %concatenate3A, %reduce_sum3A_126 [1] : vector<576x256xf32> to vector<576xf32>
    %broadcast_in_dim3A = vector.shape_cast %reduce_sum3A_127 : vector<576xf32> to vector<576x1xf32>
    %div3A = arith.constant 2.560000e+02 : f32
    %div3A_128 = vector.broadcast %div3A : f32 to vector<576x1xf32>
    %div3A_129 = arith.divf %broadcast_in_dim3A, %div3A_128 : vector<576x1xf32>
    %sub3A_130 = vector.broadcast %div3A_129 : vector<576x1xf32> to vector<576x256xf32>
    %sub3A_131 = arith.subf %concatenate3A, %sub3A_130 : vector<576x256xf32>
    %integer_pow3A = arith.mulf %sub3A_131, %sub3A_131 : vector<576x256xf32>
    %reduce_sum3A_132 = arith.constant dense<0.000000e+00> : vector<576xf32>
    %reduce_sum3A_133 = vector.multi_reduction <add>, %integer_pow3A, %reduce_sum3A_132 [1] : vector<576x256xf32> to vector<576xf32>
    %broadcast_in_dim3A_134 = vector.shape_cast %reduce_sum3A_133 : vector<576xf32> to vector<576x1xf32>
    %div3A_135 = arith.constant 2.560000e+02 : f32
    %div3A_136 = vector.broadcast %div3A_135 : f32 to vector<576x1xf32>
    %div3A_137 = arith.divf %broadcast_in_dim3A_134, %div3A_136 : vector<576x1xf32>
    %sub3A_138 = vector.broadcast %div3A_129 : vector<576x1xf32> to vector<576x256xf32>
    %sub3A_139 = arith.subf %concatenate3A, %sub3A_138 : vector<576x256xf32>
    %add3A_140 = arith.constant 9.99999974E-6 : f32
    %add3A_141 = vector.broadcast %add3A_140 : f32 to vector<576x1xf32>
    %add3A_142 = arith.addf %div3A_137, %add3A_141 : vector<576x1xf32>
    %rsqrt3A = math.rsqrt %add3A_142 : vector<576x1xf32>
    %mul3A_143 = vector.broadcast %rsqrt3A : vector<576x1xf32> to vector<576x256xf32>
    %mul3A_144 = arith.mulf %sub3A_139, %mul3A_143 : vector<576x256xf32>
    %get3A_145 = arith.constant 0 : index
    %get3A_146 = arith.constant 0 : index
    %get3A_147 = vector.load %arg4[%get3A_145, %get3A_146] : memref<1x256xf32, #tpu.memory_space<vmem>>, vector<1x256xf32>
    %get3A_148 = vector.shape_cast %get3A_147 : vector<1x256xf32> to vector<256xf32>
    %broadcast_in_dim3A_149 = vector.shape_cast %get3A_148 : vector<256xf32> to vector<1x256xf32>
    %mul3A_150 = vector.broadcast %broadcast_in_dim3A_149 : vector<1x256xf32> to vector<576x256xf32>
    %mul3A_151 = arith.mulf %mul3A_144, %mul3A_150 : vector<576x256xf32>
    %get3A_152 = arith.constant 0 : index
    %get3A_153 = arith.constant 0 : index
    %get3A_154 = vector.load %arg5[%get3A_152, %get3A_153] : memref<1x256xf32, #tpu.memory_space<vmem>>, vector<1x256xf32>
    %get3A_155 = vector.shape_cast %get3A_154 : vector<1x256xf32> to vector<256xf32>
    %broadcast_in_dim3A_156 = vector.shape_cast %get3A_155 : vector<256xf32> to vector<1x256xf32>
    %add3A_157 = vector.broadcast %broadcast_in_dim3A_156 : vector<1x256xf32> to vector<576x256xf32>
    %add3A_158 = arith.addf %mul3A_151, %add3A_157 : vector<576x256xf32>
    %get3A_159 = arith.constant 0 : index
    %get3A_160 = arith.constant 0 : index
    %get3A_161 = vector.load %arg6[%get3A_159, %get3A_160] : memref<256x768xf32, #tpu.memory_space<vmem>>, vector<256x768xf32>
    %dot_general3A_162 = arith.constant dense<0.000000e+00> : vector<576x768xf32>
    %dot_general3A_163 = tpu.matmul %add3A_158, %get3A_161, %dot_general3A_162 {dimension_numbers = #tpu.dot_dimension_numbers<[1], [0], [0], [1], [0, 0, 1, 1], [], []>, transpose_lhs_hint = false} : vector<576x256xf32>, vector<256x768xf32>, vector<576x768xf32> -> vector<576x768xf32>
    %get3A_164 = arith.constant 0 : index
    %get3A_165 = arith.constant 0 : index
    %get3A_166 = vector.load %arg7[%get3A_164, %get3A_165] : memref<1x768xf32, #tpu.memory_space<vmem>>, vector<1x768xf32>
    %get3A_167 = vector.shape_cast %get3A_166 : vector<1x768xf32> to vector<768xf32>
    %broadcast_in_dim3A_168 = vector.shape_cast %get3A_167 : vector<768xf32> to vector<1x768xf32>
    %add3A_169 = vector.broadcast %broadcast_in_dim3A_168 : vector<1x768xf32> to vector<576x768xf32>
    %add3A_170 = arith.addf %dot_general3A_163, %add3A_169 : vector<576x768xf32>
    %swap3A_171 = arith.constant 0 : index
    %swap3A_172 = arith.constant 0 : index
    %swap3A_173 = arith.constant 0 : index
    %swap3A_174 = vector.load %arg8[%swap3A_171, %swap3A_172, %swap3A_173] : memref<1x576x768xf32, #tpu.memory_space<vmem>>, vector<1x576x768xf32>
    %swap3A_175 = vector.shape_cast %swap3A_174 : vector<1x576x768xf32> to vector<576x768xf32>
    %swap3A_176 = vector.shape_cast %add3A_170 : vector<576x768xf32> to vector<1x576x768xf32>
    tpu.vector_store %arg8[%swap3A_171, %swap3A_172, %swap3A_173], %swap3A_176 {strides = array<i32>} : memref<1x576x768xf32, #tpu.memory_space<vmem>>, vector<1x576x768xf32>,
    return
  }
  func.func @transform_0(%arg0: i32) -> (i32, i32, i32) {
    %c0_i32 = arith.constant 0 : i32
    %c0_i32_0 = arith.constant 0 : i32
    %c0_i32_1 = arith.constant 0 : i32
    return %arg0, %c0_i32, %c0_i32_0 : i32, i32, i32
  }
  func.func @transform_1(%arg0: i32) -> (i32, i32, i32) {
    %c0_i32 = arith.constant 0 : i32
    %c0_i32_0 = arith.constant 0 : i32
    %c0_i32_1 = arith.constant 0 : i32
    return %arg0, %c0_i32, %c0_i32_0 : i32, i32, i32
  }
  func.func @transform_2(%arg0: i32) -> (i32, i32, i32) {
    %c0_i32 = arith.constant 0 : i32
    %c0_i32_0 = arith.constant 0 : i32
    %c0_i32_1 = arith.constant 0 : i32
    %c0_i32_2 = arith.constant 0 : i32
    return %c0_i32, %c0_i32_0, %c0_i32_1 : i32, i32, i32
  }
  func.func @transform_3(%arg0: i32) -> (i32, i32) {
    %c0_i32 = arith.constant 0 : i32
    %c0_i32_0 = arith.constant 0 : i32
    %c0_i32_1 = arith.constant 0 : i32
    return %c0_i32, %c0_i32_0 : i32, i32
  }
  func.func @transform_4(%arg0: i32) -> (i32, i32) {
    %c0_i32 = arith.constant 0 : i32
    %c0_i32_0 = arith.constant 0 : i32
    %c0_i32_1 = arith.constant 0 : i32
    return %c0_i32, %c0_i32_0 : i32, i32
  }
  func.func @transform_5(%arg0: i32) -> (i32, i32) {
    %c0_i32 = arith.constant 0 : i32
    %c0_i32_0 = arith.constant 0 : i32
    %c0_i32_1 = arith.constant 0 : i32
    return %c0_i32, %c0_i32_0 : i32, i32
  }
  func.func @transform_6(%arg0: i32) -> (i32, i32) {
    %c0_i32 = arith.constant 0 : i32
    %c0_i32_0 = arith.constant 0 : i32
    %c0_i32_1 = arith.constant 0 : i32
    return %c0_i32, %c0_i32_0 : i32, i32
  }
  func.func @transform_7(%arg0: i32) -> (i32, i32, i32) {
    %c0_i32 = arith.constant 0 : i32
    %c0_i32_0 = arith.constant 0 : i32
    %c0_i32_1 = arith.constant 0 : i32
    return %arg0, %c0_i32, %c0_i32_0 : i32, i32, i32
  }
  func.func @transform_8(%arg0: i32) -> (i32, i32) {
    %c0_i32 = arith.constant 0 : i32
    %c0_i32_0 = arith.constant 0 : i32
    %c0_i32_1 = arith.constant 0 : i32
    return %c0_i32, %c0_i32_0 : i32, i32
  }
}

</mosaic_0001>

<sc_bundles>
// kernel: kernel.5.cloned.1.call-start
scs
__scs_entry_jumppad:
0x0: {  	(pc) =	sbr.rel $0x88, $3  }
0x1: {  	(tag) =	ssettag $0x0;
	lr =	simm.s32 $0x1  }
0x2: {  	[smem:$0x3F98] =	sst lr;
	_ =	strace $0xD0000000  }
0x3: {  	_ = 	snop  }
0x4: {  	_ = 	snop  }
0x5: {  	_ = 	snop  }
0x6: {  	_ = 	snop  }
0x7: {  	_ = 	snop  }
__scs_overlays_trampoline_lowered:
0x8: {  	[smem:$0x3FA7] =	sst s0  }
0x9: {  	[smem:$0x3FA8] =	sst s1  }
0xa: {  	[smem:$0x3FA9] =	sst s2  }
0xb: {  	[smem:$0x3FAA] =	sst s3  }
0xc: {  	[smem:$0x3FAB] =	sst s4  }
0xd: {  	[smem:$0x3FAC] =	sst s5  }
0xe: {  	[smem:$0x3FAD] =	sst s6  }
0xf: {  	[smem:$0x3FAE] =	sst s7  }
0x10: {  	[smem:$0x3FAF] =	sst s8  }
0x11: {  	[smem:$0x3FB0] =	sst s9;
	s0 =	simm.s32 @!p0 $0x0  }
0x12: {  	s1 =	sld [smem:$0x3F96];
	s0 =	simm.s32 @p0 $0x1  }
0x13: {  	[smem:$0x3FB1] =	sst s0;
	s0 =	simm.s32 @!p1 $0x0  }
0x14: {  	s2 =	sld [smem:$0x3F95];
	s0 =	simm.s32 @p1 $0x1  }
0x15: {  	[smem:$0x3FB2] =	sst s0;
	s0 =	simm.s32 @!p2 $0x0  }
0x16: {  	s3 =	sld [smem:$0x3FDB];
	s0 =	simm.s32 @p2 $0x1  }
0x17: {  	s4 =	simm.s32 $0x1BF5;
	[smem:$0x3FB4] =	sst s0  }
0x18: {  	s0 =	sld [smem:$0x3F97];
	_ =	swait.ge [sflag:s4], $0x0  }
0x19: {  	s7 =	sld [smem:$0x3F98]  }
0x1a: {  	s8 =	sadd.s32 $0xFFFFE003, lr  }
0x1b: {  	s9 =	sadd.s32 $0xFFFFFEF7, lr;
	s5 =	simm.s32 $0xFFFFFFFF;
	p2 =	slt.u32 s8, $0xFFFFF086  }
0x1c: {  	p1 =	slt.u32 s9, $0xF7A;
	s5 =	simm.s32 @!p2 $0x0  }
0x1d: {  	s5 =	simm.s32 @p1 $0x1;
	p0 =	seq.s32 s7, s2  }
0x1e: {  	s7 =	smul.u32 @!p0 $0xF7A, s2;
	p2 =	seq.s32 @!p0 s5, $0x0  }
0x1f: {  	s9 =	smul.u32 $0xF7A, s1;
	s8 =	simm.s32 @!p0 $0x1BF5;
	p2 =	por !p2, p0  }
0x20: {  	[sflag:s8] =	ssyncset.s32 @!p0 $0xFFFFF086;
	s6 =	sadd.s32 @!p0 s3, s7;
	s7 =	simm.s32 @!p0 $0x108  }
0x21: {  	s3 =	sadd.s32 s3, s9;
	s6 =	sadd.s32 @!p0 $0x88, s6;
	s7 =	simm.s32 @p2 $0x1082  }
0x22: {  	[simem:s7], [sflag:s8] =	dma.local @!p0 [hbm:s6], $0xF7A  }
0x23: {  	s9 =	sor.u32 $0xD0000000, s2;
	s6 =	simm.s32 $0x108;
	_ =	swait.ge @!p0 [sflag:s8], $0x0  }
0x24: {  	s3 =	sadd.s32 $0x88, s3;
	s6 =	simm.s32 @!p1 $0x1082;
	[sflag:s4] =	ssyncset.s32 $0xFFFFF086  }
0x25: {  	[simem:s6], [sflag:s4] =	dma.local [hbm:s3], $0xF7A  }
0x26: {  	[smem:$0x3F98] =	sst s1;
	(tag) =	ssettag s2;
	_ =	strace s9  }
0x27: {  	s1 =	sld [smem:$0x3FA8]  }
0x28: {  	s2 =	sld [smem:$0x3FA9]  }
0x29: {  	s4 =	sld [smem:$0x3FAB]  }
0x2a: {  	p0 =	seq.s32 s5, $0x0;
	s5 =	sld [smem:$0x3FAC]  }
0x2b: {  	s6 =	sld [smem:$0x3FAD]  }
0x2c: {  	s7 =	sld [smem:$0x3FAE]  }
0x2d: {  	s3 =	simm.s32 $0x108;
	s8 =	sld [smem:$0x3FAF]  }
0x2e: {  	s3 =	simm.s32 @!p0 $0x1082;
	s9 =	sld [smem:$0x3FB0]  }
0x2f: {  	lr =	sadd.s32 s0, s3;
	s0 =	sld [smem:$0x3FA7]  }
0x30: {  	s3 =	sld [smem:$0x3FAA]  }
0x31: {  	[smem:$0x3FB3] =	sst s10  }
0x32: {  	s10 =	sld [smem:$0x3FB1];
	_ =	sdelay $0x3  }
0x33: {  	p0 =	seq.s32 s10, $0x1;
	s10 =	sld [smem:$0x3FB3];
	_ =	sdelay $0x3  }
0x34: {  	[smem:$0x3FB3] =	sst s10  }
0x35: {  	s10 =	sld [smem:$0x3FB2];
	_ =	sdelay $0x3  }
0x36: {  	p1 =	seq.s32 s10, $0x1;
	s10 =	sld [smem:$0x3FB3];
	_ =	sdelay $0x3  }
0x37: {  	[smem:$0x3FB3] =	sst s10  }
0x38: {  	s10 =	sld [smem:$0x3FB4]  }
0x39: {  	_ = 	snop;
	(pc) =	sbr.ind lr, $3  }
0x3a: {  	_ = 	snop  }
0x3b: {  	_ = 	snop  }
0x3c: {  	p2 =	seq.s32 s10, $0x1;
	s10 =	sld [smem:$0x3FB3]  }
0x3d: {  	_ =	shalt  }
0x3e: {  	_ =	shalt  }
0x3f: {  	_ =	shalt  }
0x40: {  	_ =	shalt  }
0x41: {  	_ =	shalt  }
0x42: {  	_ =	shalt  }
0x43: {  	_ =	shalt  }
0x44: {  	_ =	shalt  }
0x45: {  	_ =	shalt  }
0x46: {  	_ =	shalt  }
0x47: {  	_ =	shalt  }
0x48: {  	_ =	shalt  }
0x49: {  	_ =	shalt  }
0x4a: {  	_ =	shalt  }
0x4b: {  	_ =	shalt  }
0x4c: {  	_ =	shalt  }
0x4d: {  	_ =	shalt  }
0x4e: {  	_ =	shalt  }
0x4f: {  	_ =	shalt  }
0x50: {  	_ =	shalt  }
0x51: {  	_ =	shalt  }
0x52: {  	_ =	shalt  }
0x53: {  	_ =	shalt  }
0x54: {  	_ =	shalt  }
0x55: {  	_ =	shalt  }
0x56: {  	_ =	shalt  }
0x57: {  	_ =	shalt  }
0x58: {  	_ =	shalt  }
0x59: {  	_ =	shalt  }
0x5a: {  	_ =	shalt  }
0x5b: {  	_ =	shalt  }
0x5c: {  	_ =	shalt  }
0x5d: {  	_ =	shalt  }
0x5e: {  	_ =	shalt  }
0x5f: {  	_ =	shalt  }
0x60: {  	_ =	shalt  }
0x61: {  	_ =	shalt  }
0x62: {  	_ =	shalt  }
0x63: {  	_ =	shalt  }
0x64: {  	_ =	shalt  }
0x65: {  	_ =	shalt  }
0x66: {  	_ =	shalt  }
0x67: {  	_ =	shalt  }
0x68: {  	_ =	shalt  }
0x69: {  	_ =	shalt  }
0x6a: {  	_ =	shalt  }
0x6b: {  	_ =	shalt  }
0x6c: {  	_ =	shalt  }
0x6d: {  	_ =	shalt  }
0x6e: {  	_ =	shalt  }
0x6f: {  	_ =	shalt  }
0x70: {  	_ =	shalt  }
0x71: {  	_ =	shalt  }
0x72: {  	_ =	shalt  }
0x73: {  	_ =	shalt  }
0x74: {  	_ =	shalt  }
0x75: {  	_ =	shalt  }
0x76: {  	_ =	shalt  }
0x77: {  	_ =	shalt  }
0x78: {  	_ =	shalt  }
0x79: {  	_ =	shalt  }
0x7a: {  	_ =	shalt  }
0x7b: {  	_ =	shalt  }
0x7c: {  	_ =	shalt  }
0x7d: {  	_ =	shalt  }
0x7e: {  	_ =	shalt  }
0x7f: {  	_ =	shalt  }
0x80: {  	_ =	shalt  }
0x81: {  	_ =	shalt  }
0x82: {  	_ =	shalt  }
0x83: {  	_ =	shalt  }
0x84: {  	_ =	shalt  }
0x85: {  	_ =	shalt  }
0x86: {  	_ =	shalt  }
0x87: {  	_ =	shalt  }
.Lfunc_end0:
.L_simem_size_0:
called_computation_lowered:
.L_overlay_start_0:
0x88: {  	s2 =	sld [smem:$0x3FD9]  }
0x89: {  	s3 =	sld [smem:$0x3FFE];
	_ =	sdelay $0x1  }
0x8a: {  	s1 =	srdreg.scid  }
0x8b: {  	s0 =	sand.u32 $0x1, s1  }
0x8c: {  	s14 =	sshll.u32 s0, $0xA;
	s2 =	sadd.s32 s3, s2  }
0x8d: {  	s2 =	sadd.s32 s2, s14  }
0x8e: {  	[smem:$0x3FBF] =	sst s2  }
0x8f: {  	_ = 	snop  }
0x90: {  	s2 =	sld [smem:$0x3FD0];
	_ =	sdelay $0x2  }
0x91: {  	s15 =	simm.s32 $0xA;
	s4 =	simm.s32 $0x10  }
0x92: {  	[smem:s4], [sflag:s15] =	dma.local [hbm:s2], $0x1  }
0x93: {  	_ =	swait.eq [sflag:s15], $0x1  }
0x94: {  	[sflag:s15] =	ssyncset.done $0x0  }
0x95: {  	[sflag:s15] =	ssyncadd.s32 $0xFFFFFFFF  }
0x96: {  	s16 =	sld [smem:$0x12];
	(tm) =	ssettm $0x1  }
0x97: {  	s17 =	sld [smem:$0x3FFB];
	_ =	sdelay $0x3  }
0x98: {  	_ =	strace s17  }
0x99: {  	s3 =	sld [smem:$0x3FFC];
	_ =	sdelay $0x3  }
0x9a: {  	_ =	strace s3  }
0x9b: {  	s3 =	sld [smem:$0x3FFD];
	_ =	sdelay $0x3  }
0x9c: {  	_ =	strace s3  }
0x9d: {  	_ =	strace $0x8FFFFFFF  }
0x9e: {  	s18 =	sld [smem:$0x3FDB];
	_ =	sdelay $0x1  }
0x9f: {  	s19 =	simm.s32 $_scs_section_size  }
0xa0: {  	s5 =	simm.s32 $_size__tile_overlayer_lowered;
	s6 =	simm.s32 $_tile_overlayer_lowered  }
0xa1: {  	s22 =	simm.s32 $0x1BFF;
	s21 =	sshll.u32 s6, $0x1;
	s3 =	sadd.s32 s19, s18  }
0xa2: {  	s7 =	simm.s32 $0x0;
	s20 =	sshll.u32 s5, $0x1;
	s5 =	sadd.s32 s21, s3  }
0xa3: {  	[timem:s7], [sflag:s22] =	dma.local [hbm:s5], s20  }
0xa4: {  	_ =	swait.ge [sflag:s22], s20  }
0xa5: {  	s4 =	ssub.s32 $0x0, s20;
	[sflag:s22] =	ssyncset.done $0x0  }
0xa6: {  	[sflag:s22] =	ssyncadd.s32 s4;
	_ =	sdelay $0x1  }
0xa7: {  	s23 =	simm.s32 $0x1B8B  }
0xa8: {  	_ =	swait.ge [sflag:s23], $0x1  }
0xa9: {  	[sflag:s23] =	ssyncset.done $0x0  }
0xaa: {  	s25 =	simm.s32 $0x1B8E;
	s24 =	sld [smem:$0x3FFE];
	[sflag:s23] =	ssyncadd.s32 $0xFFFFFFFF  }
0xab: {  	s26 =	simm.s32 $execute0_lowered;
	[smem:$0x3FD2] =	sst s25  }
0xac: {  	s5 =	sshll.u32 s26, $0x1;
	_ =	strace $0x80000046;
	[dreg:$0x1] =	wrdreg $0xFFFFFFFF  }
0xad: {  	s28 =	simm.s32 $_size_execute0_lowered;
	s3 =	sadd.s32 s3, s5;
	[dreg:$0x0] =	wrdreg $0x0  }
0xae: {  	s5 =	sshll.u32 s28, $0x1;
	[dreg:$0x2] =	wrdreg s3  }
0xaf: {  	[dreg:$0x3] =	wrdreg s5  }
0xb0: {  	[dreg:$0x4] =	wrdreg $0xC0  }
0xb1: {  	_ =	task [dreg:s7], $0x5FFFF  }
0xb2: {  	[dreg:$0x1] =	wrdreg $0xFFFFFFFF  }
0xb3: {  	[dreg:$0x0] =	wrdreg $0x60  }
0xb4: {  	[dreg:$0x2] =	wrdreg s24  }
0xb5: {  	[dreg:$0x3] =	wrdreg s16  }
0xb6: {  	[dreg:$0x4] =	wrdreg $0x9  }
0xb7: {  	_ =	task.clear_ibuf [dreg:s7], $0x5FFFF;
	_ =	strace $0x90000046  }
0xb8: {  	s29 =	simm.s32 $0x9;
	_ =	strace $0x80000048  }
0xb9: {  	_ =	swait.ge [sflag:s29], $0x1  }
0xba: {  	[sflag:s29] =	ssyncadd.s32 $0xFFFFFFFF  }
0xbb: {  	_ =	strace $0x90000048  }
0xbc: {  	_ =	sfence  }
0xbd: {  	s30 =	sld [smem:$0x0];
	_ =	sdelay $0x2  }
0xbe: {  	s31 =	sshll.u32 s1, $0xD;
	s1 =	sshrl.u32 s1, $0x2  }
0xbf: {  	s3 =	sand.u32 $0x4000, s31;
	s1 =	sadd.s32 s1, s30  }
0xc0: {  	s0 =	sor.u32 s3, s0;
	s1 =	sshll.u32 s1, $0x11  }
0xc1: {  	s0 =	sor.u32 s1, s0  }
0xc2: {  	s0 =	sadd.s32 $0x8F2B, s0  }
0xc3: {  	[sflag:s0] =	ssyncadd.remote.s32 $0x1  }
0xc4: {  	_ =	sfence.sel $0xFFFF  }
0xc5: {  	[dreg:$0x0] =	wrdreg $0xFFFFFFFF;
	(pc) =	sbr.abs _section_cstart, $3  }
0xc6: {  	[dreg:$0x1] =	wrdreg $0xFFFFFFFF  }
0xc7: {  	_ =	task.clear_ibuf [dreg:s7], $0x2FFFF;
	_ =	strace $0x9FFFFFFF  }
0xc8: {  	(tm) =	ssettm $0x7FFFFFFF  }
0xc9: {  	_ =	shalt  }
tec
execute0_lowered:
.L_overlay_start_1:
0x0: {  	(tag) =	ssettag $0x1  }
0x1: {  	s4 =	rddreg [dreg:$0x0];
	s1 =	srdreg.scid  }
0x2: {  	s0 =	stileid.u32;
	s2 =	rddreg [dreg:$0x1]  }
0x3: {  	s3 =	simm.s32 $0x0;
	s18 =	simm.s32 $0x3;
	s19 =	simm.s32 $0x280  }
0x4: {  	s20 =	simm.s32 $0xC280;
	s5 =	sand.u32 $0x1, s1;
	s6 =	sshll.u32 s0, $0x1  }
0x5: {  	s21 =	simm.s32 $0x1;
	s1 =	rddreg [dreg:$0x2];
	s6 =	sor.u32 s5, s6  }
0x6: {  	s22 =	simm.s32 $0x2;
	[smem:$0x7FF] =	sst s3;
	s7 =	smul.u32 $0x48, s6  }
0x7: {  	s9 =	sadd.s32 $0x1E00, s4;
	s5 =	ssub.s32 $0x2, s5;
	s8 =	smul.u32 $0x90000, s6  }
0x8: {  	_ =	strace $0x80000047;
	s6 =	smul.u32 $0x12000, s6;
	s31 =	sshrl.u32 s5, $0x1  }
0x9: {  	s17 =	ssub.s32 s5, s31;
	s7 =	sadd.s32 s7, s4;
	s8 =	sshrl.u32 s8, $0x3  }
0xa: {  	s4 =	sadd.s32 s9, s6;
	s17 =	smax.u32 s17, $0x1;
	s16 =	sadd.s32 s9, s8  }
0xb: {  	v0 =	vlaneseq.u32;
	s5 =	sadd.s32 $0x1400, s7;
	s6 =	sadd.s32 $0x1800, s4;
	s7 =	sadd.s32 $0x3000, s16  }
0xc: {  	v0 =	vmul.u32 $0x400, v0;
	s8 =	sadd.s32 $0x4800, s16;
	s9 =	sadd.s32 $0x6000, s16;
	s10 =	sadd.s32 $0x7800, s16  }
0xd: {  	v1 =	vimm.f32 $1.000000000e+00;
	s11 =	sadd.s32 $0x9000, s16;
	s12 =	sadd.s32 $0xA800, s16;
	s13 =	sadd.s32 $0xC000, s16  }
0xe: {  	v4 =	vimm.f32 $0.0e+00;
	v2 =	vor.u32 $0x4000, v0;
	v3 =	vor.u32 $0x8000, v0;
	s14 =	sadd.s32 $0xD800, s16;
	s15 =	sadd.s32 $0xF000, s16;
	s16 =	sadd.s32 $0x10800, s16  }
.LBB2_1:
0xf: {  	[tilespmem:s3], [sflag:$0x3] =	stream.linear.gather [hbm4b:s5+s3], $0x240, $0x38;
	[tilespmem:$0x18280] =	vst v63  }
0x10: {  	_ =	swait.ge [sflag:s18], $0x240  }
0x11: {  	[sflag:s18] =	ssyncset.done $0x0  }
0x12: {  	[sflag:s18] =	ssyncadd.s32 $0xFFFFFDC0  }
0x13: {  	[tilespmem:s19], [sflag:$0x3] =	stream.linear.gather [hbm4b:s2+s3], $0xC000, $0x38;
	[tilespmem:$0x18280] =	vst v63  }
0x14: {  	_ =	swait.ge [sflag:s18], $0xC000  }
0x15: {  	[sflag:s18] =	ssyncset.done $0x0  }
0x16: {  	[sflag:s18] =	ssyncadd.s32 $0xFFFF4000  }
0x17: {  	[tilespmem:s20], [sflag:$0x3] =	stream.linear.gather [hbm4b:s2+s3], $0xC000, $0x38;
	[tilespmem:$0x18280] =	vst v63  }
0x18: {  	_ =	swait.ge [sflag:s18], $0xC000  }
0x19: {  	[sflag:s18] =	ssyncset.done $0x0  }
0x1a: {  	[sflag:s18] =	ssyncadd.s32 $0xFFFF4000  }
0x1b: {  	v5 =	vld [tilespmem:$0x0];
	_ =	sdelay $0x4  }
0x1c: {  	v5 =	vadd.s32 v0, v5;
	_ =	sdelay $0x4  }
0x1d: {  	[tilespmem:v5+s19+$0x0] =	vst.idx.msk $0xffff, v1  }
0x1e: {  	v5 =	vld [tilespmem:$0x10];
	_ =	sdelay $0x4  }
0x1f: {  	v5 =	vadd.s32 v2, v5;
	_ =	sdelay $0x4  }
0x20: {  	[tilespmem:v5+s19+$0x0] =	vst.idx.msk $0xffff, v1  }
0x21: {  	v5 =	vld [tilespmem:$0x20];
	_ =	sdelay $0x4  }
0x22: {  	v5 =	vadd.s32 v3, v5;
	_ =	sdelay $0x4  }
0x23: {  	[tilespmem:v5+s19+$0x0] =	vst.idx.msk $0xffff, v1  }
0x24: {  	[hbm4b:s4+s3] =	stream.linear.scatter [tilespmem:s19], [sflag:$0x1], $0xC000, $0x38;
	[tilespmem:$0x18280] =	vst v63  }
0x25: {  	v5 =	vld [tilespmem:$0x30];
	_ =	sdelay $0x4  }
0x26: {  	v5 =	vadd.s32 v0, v5;
	_ =	sdelay $0x4  }
0x27: {  	[tilespmem:v5+s20+$0x0] =	vst.idx.msk $0xffff, v1  }
0x28: {  	v5 =	vld [tilespmem:$0x40];
	_ =	sdelay $0x4  }
0x29: {  	v5 =	vadd.s32 v2, v5;
	_ =	sdelay $0x4  }
0x2a: {  	[tilespmem:v5+s20+$0x0] =	vst.idx.msk $0xffff, v1  }
0x2b: {  	v5 =	vld [tilespmem:$0x50];
	_ =	sdelay $0x4  }
0x2c: {  	v5 =	vadd.s32 v3, v5;
	_ =	sdelay $0x4  }
0x2d: {  	[tilespmem:v5+s20+$0x0] =	vst.idx.msk $0xffff, v1  }
0x2e: {  	[hbm4b:s6+s3] =	stream.linear.scatter [tilespmem:s20], [sflag:$0x2], $0xC000, $0x38;
	[tilespmem:$0x18280] =	vst v63  }
0x2f: {  	_ =	swait.ge [sflag:s21], $0xC000  }
0x30: {  	[sflag:s21] =	ssyncset.done $0x0  }
0x31: {  	[sflag:s21] =	ssyncadd.s32 $0xFFFF4000  }
0x32: {  	v5 =	vld [tilespmem:$0x0];
	_ =	sdelay $0x4  }
0x33: {  	v5 =	vadd.s32 v0, v5;
	_ =	sdelay $0x4  }
0x34: {  	[tilespmem:v5+s19+$0x0] =	vst.idx.msk $0xffff, v4  }
0x35: {  	v5 =	vld [tilespmem:$0x10];
	_ =	sdelay $0x4  }
0x36: {  	v5 =	vadd.s32 v2, v5;
	_ =	sdelay $0x4  }
0x37: {  	[tilespmem:v5+s19+$0x0] =	vst.idx.msk $0xffff, v4  }
0x38: {  	v5 =	vld [tilespmem:$0x20];
	_ =	sdelay $0x4  }
0x39: {  	v5 =	vadd.s32 v3, v5;
	_ =	sdelay $0x4  }
0x3a: {  	[tilespmem:v5+s19+$0x0] =	vst.idx.msk $0xffff, v4  }
0x3b: {  	v5 =	vld [tilespmem:$0x60];
	_ =	sdelay $0x4  }
0x3c: {  	v5 =	vadd.s32 v0, v5;
	_ =	sdelay $0x4  }
0x3d: {  	[tilespmem:v5+s19+$0x0] =	vst.idx.msk $0xffff, v1  }
0x3e: {  	v5 =	vld [tilespmem:$0x70];
	_ =	sdelay $0x4  }
0x3f: {  	v5 =	vadd.s32 v2, v5;
	_ =	sdelay $0x4  }
0x40: {  	[tilespmem:v5+s19+$0x0] =	vst.idx.msk $0xffff, v1  }
0x41: {  	v5 =	vld [tilespmem:$0x80];
	_ =	sdelay $0x4  }
0x42: {  	v5 =	vadd.s32 v3, v5;
	_ =	sdelay $0x4  }
0x43: {  	[tilespmem:v5+s19+$0x0] =	vst.idx.msk $0xffff, v1  }
0x44: {  	[hbm4b:s7+s3] =	stream.linear.scatter [tilespmem:s19], [sflag:$0x1], $0xC000, $0x38;
	[tilespmem:$0x18280] =	vst v63  }
0x45: {  	_ =	swait.ge [sflag:s22], $0xC000  }
0x46: {  	[sflag:s22] =	ssyncset.done $0x0  }
0x47: {  	[sflag:s22] =	ssyncadd.s32 $0xFFFF4000  }
0x48: {  	v5 =	vld [tilespmem:$0x30];
	_ =	sdelay $0x4  }
0x49: {  	v5 =	vadd.s32 v0, v5;
	_ =	sdelay $0x4  }
0x4a: {  	[tilespmem:v5+s20+$0x0] =	vst.idx.msk $0xffff, v4  }
0x4b: {  	v5 =	vld [tilespmem:$0x40];
	_ =	sdelay $0x4  }
0x4c: {  	v5 =	vadd.s32 v2, v5;
	_ =	sdelay $0x4  }
0x4d: {  	[tilespmem:v5+s20+$0x0] =	vst.idx.msk $0xffff, v4  }
0x4e: {  	v5 =	vld [tilespmem:$0x50];
	_ =	sdelay $0x4  }
0x4f: {  	v5 =	vadd.s32 v3, v5;
	_ =	sdelay $0x4  }
0x50: {  	[tilespmem:v5+s20+$0x0] =	vst.idx.msk $0xffff, v4  }
0x51: {  	v5 =	vld [tilespmem:$0x90];
	_ =	sdelay $0x4  }
0x52: {  	v5 =	vadd.s32 v0, v5;
	_ =	sdelay $0x4  }
0x53: {  	[tilespmem:v5+s20+$0x0] =	vst.idx.msk $0xffff, v1  }
0x54: {  	v5 =	vld [tilespmem:$0xA0];
	_ =	sdelay $0x4  }
0x55: {  	v5 =	vadd.s32 v2, v5;
	_ =	sdelay $0x4  }
0x56: {  	[tilespmem:v5+s20+$0x0] =	vst.idx.msk $0xffff, v1  }
0x57: {  	v5 =	vld [tilespmem:$0xB0];
	_ =	sdelay $0x4  }
0x58: {  	v5 =	vadd.s32 v3, v5;
	_ =	sdelay $0x4  }
0x59: {  	[tilespmem:v5+s20+$0x0] =	vst.idx.msk $0xffff, v1  }
0x5a: {  	[hbm4b:s8+s3] =	stream.linear.scatter [tilespmem:s20], [sflag:$0x2], $0xC000, $0x38;
	[tilespmem:$0x18280] =	vst v63  }
0x5b: {  	_ =	swait.ge [sflag:s21], $0xC000  }
0x5c: {  	[sflag:s21] =	ssyncset.done $0x0  }
0x5d: {  	[sflag:s21] =	ssyncadd.s32 $0xFFFF4000  }
0x5e: {  	v5 =	vld [tilespmem:$0x60];
	_ =	sdelay $0x4  }
0x5f: {  	v5 =	vadd.s32 v0, v5;
	_ =	sdelay $0x4  }
0x60: {  	[tilespmem:v5+s19+$0x0] =	vst.idx.msk $0xffff, v4  }
0x61: {  	v5 =	vld [tilespmem:$0x70];
	_ =	sdelay $0x4  }
0x62: {  	v5 =	vadd.s32 v2, v5;
	_ =	sdelay $0x4  }
0x63: {  	[tilespmem:v5+s19+$0x0] =	vst.idx.msk $0xffff, v4  }
0x64: {  	v5 =	vld [tilespmem:$0x80];
	_ =	sdelay $0x4  }
0x65: {  	v5 =	vadd.s32 v3, v5;
	_ =	sdelay $0x4  }
0x66: {  	[tilespmem:v5+s19+$0x0] =	vst.idx.msk $0xffff, v4  }
0x67: {  	v5 =	vld [tilespmem:$0xC0];
	_ =	sdelay $0x4  }
0x68: {  	v5 =	vadd.s32 v0, v5;
	_ =	sdelay $0x4  }
0x69: {  	[tilespmem:v5+s19+$0x0] =	vst.idx.msk $0xffff, v1  }
0x6a: {  	v5 =	vld [tilespmem:$0xD0];
	_ =	sdelay $0x4  }
0x6b: {  	v5 =	vadd.s32 v2, v5;
	_ =	sdelay $0x4  }
0x6c: {  	[tilespmem:v5+s19+$0x0] =	vst.idx.msk $0xffff, v1  }
0x6d: {  	v5 =	vld [tilespmem:$0xE0];
	_ =	sdelay $0x4  }
0x6e: {  	v5 =	vadd.s32 v3, v5;
	_ =	sdelay $0x4  }
0x6f: {  	[tilespmem:v5+s19+$0x0] =	vst.idx.msk $0xffff, v1  }
0x70: {  	[hbm4b:s9+s3] =	stream.linear.scatter [tilespmem:s19], [sflag:$0x1], $0xC000, $0x38;
	[tilespmem:$0x18280] =	vst v63  }
0x71: {  	_ =	swait.ge [sflag:s22], $0xC000  }
0x72: {  	[sflag:s22] =	ssyncset.done $0x0  }
0x73: {  	[sflag:s22] =	ssyncadd.s32 $0xFFFF4000  }
0x74: {  	v5 =	vld [tilespmem:$0x90];
	_ =	sdelay $0x4  }
0x75: {  	v5 =	vadd.s32 v0, v5;
	_ =	sdelay $0x4  }
0x76: {  	[tilespmem:v5+s20+$0x0] =	vst.idx.msk $0xffff, v4  }
0x77: {  	v5 =	vld [tilespmem:$0xA0];
	_ =	sdelay $0x4  }
0x78: {  	v5 =	vadd.s32 v2, v5;
	_ =	sdelay $0x4  }
0x79: {  	[tilespmem:v5+s20+$0x0] =	vst.idx.msk $0xffff, v4  }
0x7a: {  	v5 =	vld [tilespmem:$0xB0];
	_ =	sdelay $0x4  }
0x7b: {  	v5 =	vadd.s32 v3, v5;
	_ =	sdelay $0x4  }
0x7c: {  	[tilespmem:v5+s20+$0x0] =	vst.idx.msk $0xffff, v4  }
0x7d: {  	v5 =	vld [tilespmem:$0xF0];
	_ =	sdelay $0x4  }
0x7e: {  	v5 =	vadd.s32 v0, v5;
	_ =	sdelay $0x4  }
0x7f: {  	[tilespmem:v5+s20+$0x0] =	vst.idx.msk $0xffff, v1  }
0x80: {  	v5 =	vld [tilespmem:$0x100];
	_ =	sdelay $0x4  }
0x81: {  	v5 =	vadd.s32 v2, v5;
	_ =	sdelay $0x4  }
0x82: {  	[tilespmem:v5+s20+$0x0] =	vst.idx.msk $0xffff, v1  }
0x83: {  	v5 =	vld [tilespmem:$0x110];
	_ =	sdelay $0x4  }
0x84: {  	v5 =	vadd.s32 v3, v5;
	_ =	sdelay $0x4  }
0x85: {  	[tilespmem:v5+s20+$0x0] =	vst.idx.msk $0xffff, v1  }
0x86: {  	[hbm4b:s10+s3] =	stream.linear.scatter [tilespmem:s20], [sflag:$0x2], $0xC000, $0x38;
	[tilespmem:$0x18280] =	vst v63  }
0x87: {  	_ =	swait.ge [sflag:s21], $0xC000  }
0x88: {  	[sflag:s21] =	ssyncset.done $0x0  }
0x89: {  	[sflag:s21] =	ssyncadd.s32 $0xFFFF4000  }
0x8a: {  	v5 =	vld [tilespmem:$0xC0];
	_ =	sdelay $0x4  }
0x8b: {  	v5 =	vadd.s32 v0, v5;
	_ =	sdelay $0x4  }
0x8c: {  	[tilespmem:v5+s19+$0x0] =	vst.idx.msk $0xffff, v4  }
0x8d: {  	v5 =	vld [tilespmem:$0xD0];
	_ =	sdelay $0x4  }
0x8e: {  	v5 =	vadd.s32 v2, v5;
	_ =	sdelay $0x4  }
0x8f: {  	[tilespmem:v5+s19+$0x0] =	vst.idx.msk $0xffff, v4  }
0x90: {  	v5 =	vld [tilespmem:$0xE0];
	_ =	sdelay $0x4  }
0x91: {  	v5 =	vadd.s32 v3, v5;
	_ =	sdelay $0x4  }
0x92: {  	[tilespmem:v5+s19+$0x0] =	vst.idx.msk $0xffff, v4  }
0x93: {  	v5 =	vld [tilespmem:$0x120];
	_ =	sdelay $0x4  }
0x94: {  	v5 =	vadd.s32 v0, v5;
	_ =	sdelay $0x4  }
0x95: {  	[tilespmem:v5+s19+$0x0] =	vst.idx.msk $0xffff, v1  }
0x96: {  	v5 =	vld [tilespmem:$0x130];
	_ =	sdelay $0x4  }
0x97: {  	v5 =	vadd.s32 v2, v5;
	_ =	sdelay $0x4  }
0x98: {  	[tilespmem:v5+s19+$0x0] =	vst.idx.msk $0xffff, v1  }
0x99: {  	v5 =	vld [tilespmem:$0x140];
	_ =	sdelay $0x4  }
0x9a: {  	v5 =	vadd.s32 v3, v5;
	_ =	sdelay $0x4  }
0x9b: {  	[tilespmem:v5+s19+$0x0] =	vst.idx.msk $0xffff, v1  }
0x9c: {  	[hbm4b:s11+s3] =	stream.linear.scatter [tilespmem:s19], [sflag:$0x1], $0xC000, $0x38;
	[tilespmem:$0x18280] =	vst v63  }
0x9d: {  	_ =	swait.ge [sflag:s22], $0xC000  }
0x9e: {  	[sflag:s22] =	ssyncset.done $0x0  }
0x9f: {  	[sflag:s22] =	ssyncadd.s32 $0xFFFF4000  }
0xa0: {  	v5 =	vld [tilespmem:$0xF0];
	_ =	sdelay $0x4  }
0xa1: {  	v5 =	vadd.s32 v0, v5;
	_ =	sdelay $0x4  }
0xa2: {  	[tilespmem:v5+s20+$0x0] =	vst.idx.msk $0xffff, v4  }
0xa3: {  	v5 =	vld [tilespmem:$0x100];
	_ =	sdelay $0x4  }
0xa4: {  	v5 =	vadd.s32 v2, v5;
	_ =	sdelay $0x4  }
0xa5: {  	[tilespmem:v5+s20+$0x0] =	vst.idx.msk $0xffff, v4  }
0xa6: {  	v5 =	vld [tilespmem:$0x110];
	_ =	sdelay $0x4  }
0xa7: {  	v5 =	vadd.s32 v3, v5;
	_ =	sdelay $0x4  }
0xa8: {  	[tilespmem:v5+s20+$0x0] =	vst.idx.msk $0xffff, v4  }
0xa9: {  	v5 =	vld [tilespmem:$0x150];
	_ =	sdelay $0x4  }
0xaa: {  	v5 =	vadd.s32 v0, v5;
	_ =	sdelay $0x4  }
0xab: {  	[tilespmem:v5+s20+$0x0] =	vst.idx.msk $0xffff, v1  }
0xac: {  	v5 =	vld [tilespmem:$0x160];
	_ =	sdelay $0x4  }
0xad: {  	v5 =	vadd.s32 v2, v5;
	_ =	sdelay $0x4  }
0xae: {  	[tilespmem:v5+s20+$0x0] =	vst.idx.msk $0xffff, v1  }
0xaf: {  	v5 =	vld [tilespmem:$0x170];
	_ =	sdelay $0x4  }
0xb0: {  	v5 =	vadd.s32 v3, v5;
	_ =	sdelay $0x4  }
0xb1: {  	[tilespmem:v5+s20+$0x0] =	vst.idx.msk $0xffff, v1  }
0xb2: {  	[hbm4b:s12+s3] =	stream.linear.scatter [tilespmem:s20], [sflag:$0x2], $0xC000, $0x38;
	[tilespmem:$0x18280] =	vst v63  }
0xb3: {  	_ =	swait.ge [sflag:s21], $0xC000  }
0xb4: {  	[sflag:s21] =	ssyncset.done $0x0  }
0xb5: {  	[sflag:s21] =	ssyncadd.s32 $0xFFFF4000  }
0xb6: {  	v5 =	vld [tilespmem:$0x120];
	_ =	sdelay $0x4  }
0xb7: {  	v5 =	vadd.s32 v0, v5;
	_ =	sdelay $0x4  }
0xb8: {  	[tilespmem:v5+s19+$0x0] =	vst.idx.msk $0xffff, v4  }
0xb9: {  	v5 =	vld [tilespmem:$0x130];
	_ =	sdelay $0x4  }
0xba: {  	v5 =	vadd.s32 v2, v5;
	_ =	sdelay $0x4  }
0xbb: {  	[tilespmem:v5+s19+$0x0] =	vst.idx.msk $0xffff, v4  }
0xbc: {  	v5 =	vld [tilespmem:$0x140];
	_ =	sdelay $0x4  }
0xbd: {  	v5 =	vadd.s32 v3, v5;
	_ =	sdelay $0x4  }
0xbe: {  	[tilespmem:v5+s19+$0x0] =	vst.idx.msk $0xffff, v4  }
0xbf: {  	v5 =	vld [tilespmem:$0x180];
	_ =	sdelay $0x4  }
0xc0: {  	v5 =	vadd.s32 v0, v5;
	_ =	sdelay $0x4  }
0xc1: {  	[tilespmem:v5+s19+$0x0] =	vst.idx.msk $0xffff, v1  }
0xc2: {  	v5 =	vld [tilespmem:$0x190];
	_ =	sdelay $0x4  }
0xc3: {  	v5 =	vadd.s32 v2, v5;
	_ =	sdelay $0x4  }
0xc4: {  	[tilespmem:v5+s19+$0x0] =	vst.idx.msk $0xffff, v1  }
0xc5: {  	v5 =	vld [tilespmem:$0x1A0];
	_ =	sdelay $0x4  }
0xc6: {  	v5 =	vadd.s32 v3, v5;
	_ =	sdelay $0x4  }
0xc7: {  	[tilespmem:v5+s19+$0x0] =	vst.idx.msk $0xffff, v1  }
0xc8: {  	[hbm4b:s13+s3] =	stream.linear.scatter [tilespmem:s19], [sflag:$0x1], $0xC000, $0x38;
	[tilespmem:$0x18280] =	vst v63  }
0xc9: {  	_ =	swait.ge [sflag:s22], $0xC000  }
0xca: {  	[sflag:s22] =	ssyncset.done $0x0  }
0xcb: {  	[sflag:s22] =	ssyncadd.s32 $0xFFFF4000  }
0xcc: {  	v5 =	vld [tilespmem:$0x150];
	_ =	sdelay $0x4  }
0xcd: {  	v5 =	vadd.s32 v0, v5;
	_ =	sdelay $0x4  }
0xce: {  	[tilespmem:v5+s20+$0x0] =	vst.idx.msk $0xffff, v4  }
0xcf: {  	v5 =	vld [tilespmem:$0x160];
	_ =	sdelay $0x4  }
0xd0: {  	v5 =	vadd.s32 v2, v5;
	_ =	sdelay $0x4  }
0xd1: {  	[tilespmem:v5+s20+$0x0] =	vst.idx.msk $0xffff, v4  }
0xd2: {  	v5 =	vld [tilespmem:$0x170];
	_ =	sdelay $0x4  }
0xd3: {  	v5 =	vadd.s32 v3, v5;
	_ =	sdelay $0x4  }
0xd4: {  	[tilespmem:v5+s20+$0x0] =	vst.idx.msk $0xffff, v4  }
0xd5: {  	v5 =	vld [tilespmem:$0x1B0];
	_ =	sdelay $0x4  }
0xd6: {  	v5 =	vadd.s32 v0, v5;
	_ =	sdelay $0x4  }
0xd7: {  	[tilespmem:v5+s20+$0x0] =	vst.idx.msk $0xffff, v1  }
0xd8: {  	v5 =	vld [tilespmem:$0x1C0];
	_ =	sdelay $0x4  }
0xd9: {  	v5 =	vadd.s32 v2, v5;
	_ =	sdelay $0x4  }
0xda: {  	[tilespmem:v5+s20+$0x0] =	vst.idx.msk $0xffff, v1  }
0xdb: {  	v5 =	vld [tilespmem:$0x1D0];
	_ =	sdelay $0x4  }
0xdc: {  	v5 =	vadd.s32 v3, v5;
	_ =	sdelay $0x4  }
0xdd: {  	[tilespmem:v5+s20+$0x0] =	vst.idx.msk $0xffff, v1  }
0xde: {  	[hbm4b:s14+s3] =	stream.linear.scatter [tilespmem:s20], [sflag:$0x2], $0xC000, $0x38;
	[tilespmem:$0x18280] =	vst v63  }
0xdf: {  	_ =	swait.ge [sflag:s21], $0xC000  }
0xe0: {  	[sflag:s21] =	ssyncset.done $0x0  }
0xe1: {  	[sflag:s21] =	ssyncadd.s32 $0xFFFF4000  }
0xe2: {  	v5 =	vld [tilespmem:$0x180];
	_ =	sdelay $0x4  }
0xe3: {  	v5 =	vadd.s32 v0, v5;
	_ =	sdelay $0x4  }
0xe4: {  	[tilespmem:v5+s19+$0x0] =	vst.idx.msk $0xffff, v4  }
0xe5: {  	v5 =	vld [tilespmem:$0x190];
	_ =	sdelay $0x4  }
0xe6: {  	v5 =	vadd.s32 v2, v5;
	_ =	sdelay $0x4  }
0xe7: {  	[tilespmem:v5+s19+$0x0] =	vst.idx.msk $0xffff, v4  }
0xe8: {  	v5 =	vld [tilespmem:$0x1A0];
	_ =	sdelay $0x4  }
0xe9: {  	v5 =	vadd.s32 v3, v5;
	_ =	sdelay $0x4  }
0xea: {  	[tilespmem:v5+s19+$0x0] =	vst.idx.msk $0xffff, v4  }
0xeb: {  	v5 =	vld [tilespmem:$0x1E0];
	_ =	sdelay $0x4  }
0xec: {  	v5 =	vadd.s32 v0, v5;
	_ =	sdelay $0x4  }
0xed: {  	[tilespmem:v5+s19+$0x0] =	vst.idx.msk $0xffff, v1  }
0xee: {  	v5 =	vld [tilespmem:$0x1F0];
	_ =	sdelay $0x4  }
0xef: {  	v5 =	vadd.s32 v2, v5;
	_ =	sdelay $0x4  }
0xf0: {  	[tilespmem:v5+s19+$0x0] =	vst.idx.msk $0xffff, v1  }
0xf1: {  	v5 =	vld [tilespmem:$0x200];
	_ =	sdelay $0x4  }
0xf2: {  	v5 =	vadd.s32 v3, v5;
	_ =	sdelay $0x4  }
0xf3: {  	[tilespmem:v5+s19+$0x0] =	vst.idx.msk $0xffff, v1  }
0xf4: {  	[hbm4b:s15+s3] =	stream.linear.scatter [tilespmem:s19], [sflag:$0x1], $0xC000, $0x38;
	[tilespmem:$0x18280] =	vst v63  }
0xf5: {  	_ =	swait.ge [sflag:s22], $0xC000  }
0xf6: {  	[sflag:s22] =	ssyncset.done $0x0  }
0xf7: {  	[sflag:s22] =	ssyncadd.s32 $0xFFFF4000  }
0xf8: {  	v5 =	vld [tilespmem:$0x1B0];
	_ =	sdelay $0x4  }
0xf9: {  	v5 =	vadd.s32 v0, v5;
	_ =	sdelay $0x4  }
0xfa: {  	[tilespmem:v5+s20+$0x0] =	vst.idx.msk $0xffff, v4  }
0xfb: {  	v5 =	vld [tilespmem:$0x1C0];
	_ =	sdelay $0x4  }
0xfc: {  	v5 =	vadd.s32 v2, v5;
	_ =	sdelay $0x4  }
0xfd: {  	[tilespmem:v5+s20+$0x0] =	vst.idx.msk $0xffff, v4  }
0xfe: {  	v5 =	vld [tilespmem:$0x1D0];
	_ =	sdelay $0x4  }
0xff: {  	v5 =	vadd.s32 v3, v5;
	_ =	sdelay $0x4  }
0x100: {  	[tilespmem:v5+s20+$0x0] =	vst.idx.msk $0xffff, v4  }
0x101: {  	v5 =	vld [tilespmem:$0x210];
	_ =	sdelay $0x4  }
0x102: {  	v5 =	vadd.s32 v0, v5;
	_ =	sdelay $0x4  }
0x103: {  	[tilespmem:v5+s20+$0x0] =	vst.idx.msk $0xffff, v1  }
0x104: {  	v5 =	vld [tilespmem:$0x220];
	_ =	sdelay $0x4  }
0x105: {  	v5 =	vadd.s32 v2, v5;
	_ =	sdelay $0x4  }
0x106: {  	[tilespmem:v5+s20+$0x0] =	vst.idx.msk $0xffff, v1  }
0x107: {  	v5 =	vld [tilespmem:$0x230];
	_ =	sdelay $0x4  }
0x108: {  	v5 =	vadd.s32 v3, v5;
	_ =	sdelay $0x4  }
0x109: {  	[tilespmem:v5+s20+$0x0] =	vst.idx.msk $0xffff, v1  }
0x10a: {  	[hbm4b:s16+s3] =	stream.linear.scatter [tilespmem:s20], [sflag:$0x2], $0xC000, $0x38;
	[tilespmem:$0x18280] =	vst v63  }
0x10b: {  	p0 =	sne.s32 s17, $0x1;
	_ =	swait.ge [sflag:s21], $0xC000  }
.Ltmp0:
0x10c: {  	[sflag:s21] =	ssyncset.done $0x0;
	(pc) =	sbr.rel @p0 .LBB2_1-.Ltmp0, $4  }
0x10d: {  	[sflag:s21] =	ssyncadd.s32 $0xFFFF4000  }
0x10e: {  	_ =	swait.ge [sflag:s22], $0xC000  }
0x10f: {  	[sflag:s22] =	ssyncset.done $0x0  }
0x110: {  	s17 =	sadd.s32 $0xFFFFFFFF, s17;
	[sflag:s22] =	ssyncadd.s32 $0xFFFF4000  }
0x111: {  	_ =	sfence.sel $0x180000  }
0x112: {  	[bflag:$0x0] =	sbarrier.arrive $0xFFFF  }
0x113: {  	p0 =	sne.s32 s0, $0x0;
	_ =	strace $0x90000047  }
0x114: {  	s0 =	sadd.s32 @!p0 $0x100000, s1;
	[bflag:$0x2] =	sbarrier.arrive $0xFFFF  }
0x115: {  	[sflag:s0] =	ssyncadd.tile.s32 @!p0 $0x1;
	_ =	shalt  }
.Lfunc_end2:
_tile_overlayer_lowered:
.L_overlay_start_2:
0x116: {  	(tag) =	ssettag $0x2  }
0x117: {  	s0 =	rddreg [dreg:$0x0];
	s2 =	stileid.u32  }
0x118: {  	s1 =	rddreg [dreg:$0x1];
	p0 =	sne.s32 s2, $0x0  }
0x119: {  	s3 =	rddreg [dreg:$0x2];
	[bflag:$0x3] =	sbarrier.arrive $0xFFFF;
	s2 =	simm.s32 @!p0 $0x1C03  }
0x11a: {  	[timem:s3], [sflag:s2] =	dma.local @!p0 [hbm:s0], s1  }
0x11b: {  	s0 =	simm.s32 @!p0 $0x3  }
0x11c: {  	_ =	swait.ge @!p0 [sflag:s0], s1  }
0x11d: {  	s1 =	ssub.s32 @!p0 $0x0, s1;
	[sflag:s0] =	ssyncset.done @!p0 $0x0  }
0x11e: {  	[sflag:s0] =	ssyncadd.s32 @!p0 s1  }
0x11f: {  	[bflag:$0x3] =	sbarrier.arrive $0xFFFF  }
0x120: {  	_ =	shalt  }

</sc_bundles>
